<compile_context>
chip_gen: v7x
topology: tpu7x:2x2x1
jax: 0.10.2.dev20260603
libtpu: 0.0.44.dev20260713+nightly
codegen_flags: <defaults>
</compile_context>

<pallas_src>
import jax
import jax.numpy as jnp
from jax import lax
from jax.experimental import pallas as pl
from jax.experimental.pallas import tpu as pltpu
from jax.experimental.pallas import tpu_sc as plsc

_N_DOCS = 100000
_BATCH = 4096
_LIST = 50
_NC = 2
_NS = 16
_NW = _NC * _NS
_ROWS_PER_W = _BATCH // _NW
_ELEMS_PER_W = _ROWS_PER_W * _LIST
_GROUPS = _ROWS_PER_W // 16


def _cascade_body(x_hbm, table_hbm, out_hbm,
                  idx_v, idxt_v, vals_v, out_v, shared_tab,
                  sem_i, sem_t, sem_g):
    cid = lax.axis_index("c")
    sid = lax.axis_index("s")
    wid = sid * _NC + cid
    base = wid * _ELEMS_PER_W

    cp_i = pltpu.async_copy(x_hbm.at[pl.ds(base, _ELEMS_PER_W)], idx_v, sem_i)

    with jax.named_scope("spfill"):
        @pl.when(sid == 0)
        def _fill():
            pltpu.async_copy(table_hbm, shared_tab, sem_t).wait()

    cp_i.wait()

    lane50 = lax.iota(jnp.int32, 16) * _LIST
    ones = jnp.ones((16,), jnp.float32)

    with jax.named_scope("tr"):
        @plsc.parallel_loop(0, _LIST)
        def _tr(i):
            for g in range(_GROUPS):
                xi = plsc.load_gather(idx_v, [lane50 + (g * 16 * _LIST + i)])
                idxt_v[pl.ds(i * _ROWS_PER_W + g * 16, 16)] = xi

    with jax.named_scope("bar"):
        plsc.subcore_barrier()

    with jax.named_scope("gather"):
        pltpu.async_copy(shared_tab.at[idxt_v], vals_v, sem_g).wait()

    with jax.named_scope("casc"):
        @plsc.parallel_loop(0, _LIST, carry=tuple(ones for _ in range(_GROUPS)))
        def _casc(i, ps):
            new_ps = []
            for g in range(_GROUPS):
                v = vals_v[pl.ds(i * _ROWS_PER_W + g * 16, 16)]
                r = 1.0 / (1.0 + jnp.exp(-v))
                o = ps[g] * r
                plsc.store_scatter(out_v, [lane50 + (g * 16 * _LIST + i)], o)
                new_ps.append(ps[g] - o)
            return tuple(new_ps)

    with jax.named_scope("wb"):
        pltpu.sync_copy(out_v, out_hbm.at[pl.ds(base, _ELEMS_PER_W)])


def kernel(x, table):
    xf = x.reshape(_BATCH * _LIST)
    tf = table.reshape(_N_DOCS)
    mesh = plsc.VectorSubcoreMesh(core_axis_name="c", subcore_axis_name="s")
    out = pl.kernel(
        _cascade_body,
        out_type=jax.ShapeDtypeStruct((_BATCH * _LIST,), jnp.float32),
        mesh=mesh,
        compiler_params=pltpu.CompilerParams(needs_layout_passes=False),
        scratch_types=[
            pltpu.VMEM((_ELEMS_PER_W,), jnp.int32),
            pltpu.VMEM((_ELEMS_PER_W,), jnp.int32),
            pltpu.VMEM((_ELEMS_PER_W,), jnp.float32),
            pltpu.VMEM((_ELEMS_PER_W,), jnp.float32),
            pltpu.VMEM_SHARED((_N_DOCS,), jnp.float32),
            pltpu.SemaphoreType.DMA,
            pltpu.SemaphoreType.DMA,
            pltpu.SemaphoreType.DMA,
        ],
    )(xf, tf)
    return out.reshape(_BATCH, _LIST)

# --- scband reference (transcript-rebuilt; emitter-appended) ---
"""Pipeline reference for scband-cascade-model-54176717471918 (READ-ONLY COPY).

The authoritative reference and input builder live on the scoring server;
editing this copy changes nothing except your own understanding.
"""

import jax, jax.numpy as jnp
import numpy as np

N_DOCS = 100000
BATCH = 4096
LIST_LEN = 50


def setup_inputs(seed: int = 0) -> dict:
    key = jax.random.key(seed)
    k1, k2 = jax.random.split(key)
    x = jax.random.randint(k1, (BATCH, LIST_LEN), 0, N_DOCS, dtype=jnp.int32)
    # Learned parameter: relevance embedding table, shape (n_documents, 1)
    table = jax.random.normal(k2, (N_DOCS, 1), dtype=jnp.float32) * 0.02
    return {"x": x, "table": table}


def reference(x, table):
    # relevance = sigmoid(Embed(x)).squeeze()
    emb = jnp.take(table, x, axis=0)            # (B, L, 1)
    relevance = jax.nn.sigmoid(emb).squeeze(-1)  # (B, L)
    # examination = cumprod of rolled non-relevance, first position forced to 1
    non_relevance = 1.0 - relevance
    examination = jnp.roll(non_relevance, shift=1, axis=-1)
    examination = examination.at[:, 0].set(1.0)
    examination = jnp.cumprod(examination, axis=-1)
    return examination * relevance

if __name__ == "__main__":
    import jax
    _d = setup_inputs()
    print(jax.jit(kernel)(*tuple(_d.values())))

</pallas_src>

<mosaic_0001>
#map = affine_map<(d0, d1) -> (0)>
module attributes {stable_mosaic.version = 14 : i64} {
  func.func @_cascade_body(%arg0: i32, %arg1: i32, %arg2: memref<204800xi32, #tpu.memory_space<hbm>>, %arg3: memref<100000xf32, #tpu.memory_space<hbm>>, %arg4: memref<204800xf32, #tpu.memory_space<hbm>>, %arg5: memref<6400xi32, #tpu.memory_space<vmem>>, %arg6: memref<6400xi32, #tpu.memory_space<vmem>>, %arg7: memref<6400xf32, #tpu.memory_space<vmem>>, %arg8: memref<6400xf32, #tpu.memory_space<vmem>>, %arg9: memref<100000xf32, #tpu.memory_space<vmem_shared>>, %arg10: memref<!tpu.dma_semaphore, #tpu.memory_space<semaphore_mem>>, %arg11: memref<!tpu.dma_semaphore, #tpu.memory_space<semaphore_mem>>, %arg12: memref<!tpu.dma_semaphore, #tpu.memory_space<semaphore_mem>>) attributes {dimension_semantics = [#tpu.dimension_semantics<core_parallel>, #tpu.dimension_semantics<subcore_parallel>], iteration_bounds = array<i64: 2, 16>, scalar_prefetch = 0 : i64, scratch_operands = 8 : i64, tpu.core_type = #tpu.core_type<sc_vector_subcore>, window_params = [{transform_indices = #map}, {transform_indices = #map}, {transform_indices = #map}]} {
    %mul3A = arith.constant 2 : i32
    %mul3A_0 = arith.muli %arg1, %mul3A : i32
    %add3A = arith.addi %mul3A_0, %arg0 : i32
    %mul3A_1 = arith.constant 6400 : i32
    %mul3A_2 = arith.muli %add3A, %mul3A_1 : i32
    %dma_start3A = tpu.memref_slice %arg2[%mul3A_2] : memref<204800xi32, #tpu.memory_space<hbm>> -> memref<6400xi32, #tpu.memory_space<hbm>>
    %dma_start3A_3 = tpu.memref_slice %arg2[%mul3A_2] : memref<204800xi32, #tpu.memory_space<hbm>> -> memref<6400xi32, #tpu.memory_space<hbm>>
    tpu.enqueue_dma source(%dma_start3A_3 : memref<6400xi32, #tpu.memory_space<hbm>>) target(%arg5 : memref<6400xi32, #tpu.memory_space<vmem>>) target_semaphore(%arg10 : memref<!tpu.dma_semaphore, #tpu.memory_space<semaphore_mem>>)
    %eq3A = arith.constant 0 : i32
    "tpu.trace_start"() <{level = 10 : i32, message = "spfill"}> : () -> ()
    %eq3A_4 = arith.cmpi eq, %arg1, %eq3A : i32
    %convert_element_type3A = arith.extui %eq3A_4 : i1 to i32
    %cond3A = arith.constant 0 : i32
    %cond3A_5 = arith.cmpi ne, %convert_element_type3A, %cond3A : i32
    scf.if %cond3A_5 {
      tpu.enqueue_dma source(%arg3 : memref<100000xf32, #tpu.memory_space<hbm>>) target(%arg9 : memref<100000xf32, #tpu.memory_space<vmem_shared>>) target_semaphore(%arg11 : memref<!tpu.dma_semaphore, #tpu.memory_space<semaphore_mem>>)
      tpu.wait_dma2 semaphore(%arg11 : memref<!tpu.dma_semaphore, #tpu.memory_space<semaphore_mem>>) src(%arg3 : memref<100000xf32, #tpu.memory_space<hbm>>) dst(%arg9 : memref<100000xf32, #tpu.memory_space<vmem_shared>>)
    } else {
    }
    "tpu.trace_stop"() : () -> ()
    %dma_wait3A = tpu.memref_slice %arg2[%mul3A_2] : memref<204800xi32, #tpu.memory_space<hbm>> -> memref<6400xi32, #tpu.memory_space<hbm>>
    %dma_wait3A_6 = tpu.memref_slice %arg2[%mul3A_2] : memref<204800xi32, #tpu.memory_space<hbm>> -> memref<6400xi32, #tpu.memory_space<hbm>>
    tpu.wait_dma2 semaphore(%arg10 : memref<!tpu.dma_semaphore, #tpu.memory_space<semaphore_mem>>) src(%dma_wait3A_6 : memref<6400xi32, #tpu.memory_space<hbm>>) dst(%arg5 : memref<6400xi32, #tpu.memory_space<vmem>>)
    %iota3A = tpu.iota {dimensions = array<i32: 0>} : vector<16xi32>
    %mul3A_7 = arith.constant 50 : i32
    %mul3A_8 = vector.broadcast %mul3A_7 : i32 to vector<16xi32>
    %mul3A_9 = arith.muli %iota3A, %mul3A_8 : vector<16xi32>
    %broadcast_in_dim3A = arith.constant 1.000000e+00 : f32
    %broadcast_in_dim3A_10 = vector.broadcast %broadcast_in_dim3A : f32 to vector<16xf32>
    %parallel_loop3A = arith.constant 0 : i32
    %parallel_loop3A_11 = arith.constant 50 : i32
    %parallel_loop3A_12 = arith.constant 1 : i32
    "tpu.trace_start"() <{level = 10 : i32, message = "tr"}> : () -> ()
    scf.for %parallel_loop3A_21 = %parallel_loop3A to %parallel_loop3A_11 step %parallel_loop3A_12  : i32 {
      %parallel_loop3A_22 = arith.constant 0 : i32
      %parallel_loop3A_23 = arith.addi %parallel_loop3A_22, %parallel_loop3A_21 : i32
      %parallel_loop3A_24 = vector.broadcast %parallel_loop3A_23 : i32 to vector<16xi32>
      %parallel_loop3A_25 = arith.addi %mul3A_9, %parallel_loop3A_24 : vector<16xi32>
      %parallel_loop3A_26 = tpu.vector_load_idx %arg5[%parallel_loop3A_25] : memref<6400xi32, #tpu.memory_space<vmem>>[vector<16xi32>], vector<16xi32>,
      %parallel_loop3A_27 = arith.constant 128 : i32
      %parallel_loop3A_28 = arith.muli %parallel_loop3A_21, %parallel_loop3A_27 : i32
      %parallel_loop3A_29 = arith.constant 0 : i32
      %parallel_loop3A_30 = arith.addi %parallel_loop3A_28, %parallel_loop3A_29 : i32
      %parallel_loop3A_31 = arith.index_cast %parallel_loop3A_30 : i32 to index
      %parallel_loop3A_32 = tpu.vector_load %arg6[%parallel_loop3A_31] {strides = array<i32>} : memref<6400xi32, #tpu.memory_space<vmem>>, vector<16xi32>,
      tpu.vector_store %arg6[%parallel_loop3A_31], %parallel_loop3A_26 {strides = array<i32>} : memref<6400xi32, #tpu.memory_space<vmem>>, vector<16xi32>,
      %parallel_loop3A_33 = arith.constant 800 : i32
      %parallel_loop3A_34 = arith.addi %parallel_loop3A_33, %parallel_loop3A_21 : i32
      %parallel_loop3A_35 = vector.broadcast %parallel_loop3A_34 : i32 to vector<16xi32>
      %parallel_loop3A_36 = arith.addi %mul3A_9, %parallel_loop3A_35 : vector<16xi32>
      %parallel_loop3A_37 = tpu.vector_load_idx %arg5[%parallel_loop3A_36] : memref<6400xi32, #tpu.memory_space<vmem>>[vector<16xi32>], vector<16xi32>,
      %parallel_loop3A_38 = arith.constant 128 : i32
      %parallel_loop3A_39 = arith.muli %parallel_loop3A_21, %parallel_loop3A_38 : i32
      %parallel_loop3A_40 = arith.constant 16 : i32
      %parallel_loop3A_41 = arith.addi %parallel_loop3A_39, %parallel_loop3A_40 : i32
      %parallel_loop3A_42 = arith.index_cast %parallel_loop3A_41 : i32 to index
      %parallel_loop3A_43 = tpu.vector_load %arg6[%parallel_loop3A_42] {strides = array<i32>} : memref<6400xi32, #tpu.memory_space<vmem>>, vector<16xi32>,
      tpu.vector_store %arg6[%parallel_loop3A_42], %parallel_loop3A_37 {strides = array<i32>} : memref<6400xi32, #tpu.memory_space<vmem>>, vector<16xi32>,
      %parallel_loop3A_44 = arith.constant 1600 : i32
      %parallel_loop3A_45 = arith.addi %parallel_loop3A_44, %parallel_loop3A_21 : i32
      %parallel_loop3A_46 = vector.broadcast %parallel_loop3A_45 : i32 to vector<16xi32>
      %parallel_loop3A_47 = arith.addi %mul3A_9, %parallel_loop3A_46 : vector<16xi32>
      %parallel_loop3A_48 = tpu.vector_load_idx %arg5[%parallel_loop3A_47] : memref<6400xi32, #tpu.memory_space<vmem>>[vector<16xi32>], vector<16xi32>,
      %parallel_loop3A_49 = arith.constant 128 : i32
      %parallel_loop3A_50 = arith.muli %parallel_loop3A_21, %parallel_loop3A_49 : i32
      %parallel_loop3A_51 = arith.constant 32 : i32
      %parallel_loop3A_52 = arith.addi %parallel_loop3A_50, %parallel_loop3A_51 : i32
      %parallel_loop3A_53 = arith.index_cast %parallel_loop3A_52 : i32 to index
      %parallel_loop3A_54 = tpu.vector_load %arg6[%parallel_loop3A_53] {strides = array<i32>} : memref<6400xi32, #tpu.memory_space<vmem>>, vector<16xi32>,
      tpu.vector_store %arg6[%parallel_loop3A_53], %parallel_loop3A_48 {strides = array<i32>} : memref<6400xi32, #tpu.memory_space<vmem>>, vector<16xi32>,
      %parallel_loop3A_55 = arith.constant 2400 : i32
      %parallel_loop3A_56 = arith.addi %parallel_loop3A_55, %parallel_loop3A_21 : i32
      %parallel_loop3A_57 = vector.broadcast %parallel_loop3A_56 : i32 to vector<16xi32>
      %parallel_loop3A_58 = arith.addi %mul3A_9, %parallel_loop3A_57 : vector<16xi32>
      %parallel_loop3A_59 = tpu.vector_load_idx %arg5[%parallel_loop3A_58] : memref<6400xi32, #tpu.memory_space<vmem>>[vector<16xi32>], vector<16xi32>,
      %parallel_loop3A_60 = arith.constant 128 : i32
      %parallel_loop3A_61 = arith.muli %parallel_loop3A_21, %parallel_loop3A_60 : i32
      %parallel_loop3A_62 = arith.constant 48 : i32
      %parallel_loop3A_63 = arith.addi %parallel_loop3A_61, %parallel_loop3A_62 : i32
      %parallel_loop3A_64 = arith.index_cast %parallel_loop3A_63 : i32 to index
      %parallel_loop3A_65 = tpu.vector_load %arg6[%parallel_loop3A_64] {strides = array<i32>} : memref<6400xi32, #tpu.memory_space<vmem>>, vector<16xi32>,
      tpu.vector_store %arg6[%parallel_loop3A_64], %parallel_loop3A_59 {strides = array<i32>} : memref<6400xi32, #tpu.memory_space<vmem>>, vector<16xi32>,
      %parallel_loop3A_66 = arith.constant 3200 : i32
      %parallel_loop3A_67 = arith.addi %parallel_loop3A_66, %parallel_loop3A_21 : i32
      %parallel_loop3A_68 = vector.broadcast %parallel_loop3A_67 : i32 to vector<16xi32>
      %parallel_loop3A_69 = arith.addi %mul3A_9, %parallel_loop3A_68 : vector<16xi32>
      %parallel_loop3A_70 = tpu.vector_load_idx %arg5[%parallel_loop3A_69] : memref<6400xi32, #tpu.memory_space<vmem>>[vector<16xi32>], vector<16xi32>,
      %parallel_loop3A_71 = arith.constant 128 : i32
      %parallel_loop3A_72 = arith.muli %parallel_loop3A_21, %parallel_loop3A_71 : i32
      %parallel_loop3A_73 = arith.constant 64 : i32
      %parallel_loop3A_74 = arith.addi %parallel_loop3A_72, %parallel_loop3A_73 : i32
      %parallel_loop3A_75 = arith.index_cast %parallel_loop3A_74 : i32 to index
      %parallel_loop3A_76 = tpu.vector_load %arg6[%parallel_loop3A_75] {strides = array<i32>} : memref<6400xi32, #tpu.memory_space<vmem>>, vector<16xi32>,
      tpu.vector_store %arg6[%parallel_loop3A_75], %parallel_loop3A_70 {strides = array<i32>} : memref<6400xi32, #tpu.memory_space<vmem>>, vector<16xi32>,
      %parallel_loop3A_77 = arith.constant 4000 : i32
      %parallel_loop3A_78 = arith.addi %parallel_loop3A_77, %parallel_loop3A_21 : i32
      %parallel_loop3A_79 = vector.broadcast %parallel_loop3A_78 : i32 to vector<16xi32>
      %parallel_loop3A_80 = arith.addi %mul3A_9, %parallel_loop3A_79 : vector<16xi32>
      %parallel_loop3A_81 = tpu.vector_load_idx %arg5[%parallel_loop3A_80] : memref<6400xi32, #tpu.memory_space<vmem>>[vector<16xi32>], vector<16xi32>,
      %parallel_loop3A_82 = arith.constant 128 : i32
      %parallel_loop3A_83 = arith.muli %parallel_loop3A_21, %parallel_loop3A_82 : i32
      %parallel_loop3A_84 = arith.constant 80 : i32
      %parallel_loop3A_85 = arith.addi %parallel_loop3A_83, %parallel_loop3A_84 : i32
      %parallel_loop3A_86 = arith.index_cast %parallel_loop3A_85 : i32 to index
      %parallel_loop3A_87 = tpu.vector_load %arg6[%parallel_loop3A_86] {strides = array<i32>} : memref<6400xi32, #tpu.memory_space<vmem>>, vector<16xi32>,
      tpu.vector_store %arg6[%parallel_loop3A_86], %parallel_loop3A_81 {strides = array<i32>} : memref<6400xi32, #tpu.memory_space<vmem>>, vector<16xi32>,
      %parallel_loop3A_88 = arith.constant 4800 : i32
      %parallel_loop3A_89 = arith.addi %parallel_loop3A_88, %parallel_loop3A_21 : i32
      %parallel_loop3A_90 = vector.broadcast %parallel_loop3A_89 : i32 to vector<16xi32>
      %parallel_loop3A_91 = arith.addi %mul3A_9, %parallel_loop3A_90 : vector<16xi32>
      %parallel_loop3A_92 = tpu.vector_load_idx %arg5[%parallel_loop3A_91] : memref<6400xi32, #tpu.memory_space<vmem>>[vector<16xi32>], vector<16xi32>,
      %parallel_loop3A_93 = arith.constant 128 : i32
      %parallel_loop3A_94 = arith.muli %parallel_loop3A_21, %parallel_loop3A_93 : i32
      %parallel_loop3A_95 = arith.constant 96 : i32
      %parallel_loop3A_96 = arith.addi %parallel_loop3A_94, %parallel_loop3A_95 : i32
      %parallel_loop3A_97 = arith.index_cast %parallel_loop3A_96 : i32 to index
      %parallel_loop3A_98 = tpu.vector_load %arg6[%parallel_loop3A_97] {strides = array<i32>} : memref<6400xi32, #tpu.memory_space<vmem>>, vector<16xi32>,
      tpu.vector_store %arg6[%parallel_loop3A_97], %parallel_loop3A_92 {strides = array<i32>} : memref<6400xi32, #tpu.memory_space<vmem>>, vector<16xi32>,
      %parallel_loop3A_99 = arith.constant 5600 : i32
      %parallel_loop3A_100 = arith.addi %parallel_loop3A_99, %parallel_loop3A_21 : i32
      %parallel_loop3A_101 = vector.broadcast %parallel_loop3A_100 : i32 to vector<16xi32>
      %parallel_loop3A_102 = arith.addi %mul3A_9, %parallel_loop3A_101 : vector<16xi32>
      %parallel_loop3A_103 = tpu.vector_load_idx %arg5[%parallel_loop3A_102] : memref<6400xi32, #tpu.memory_space<vmem>>[vector<16xi32>], vector<16xi32>,
      %parallel_loop3A_104 = arith.constant 128 : i32
      %parallel_loop3A_105 = arith.muli %parallel_loop3A_21, %parallel_loop3A_104 : i32
      %parallel_loop3A_106 = arith.constant 112 : i32
      %parallel_loop3A_107 = arith.addi %parallel_loop3A_105, %parallel_loop3A_106 : i32
      %parallel_loop3A_108 = arith.index_cast %parallel_loop3A_107 : i32 to index
      %parallel_loop3A_109 = tpu.vector_load %arg6[%parallel_loop3A_108] {strides = array<i32>} : memref<6400xi32, #tpu.memory_space<vmem>>, vector<16xi32>,
      tpu.vector_store %arg6[%parallel_loop3A_108], %parallel_loop3A_103 {strides = array<i32>} : memref<6400xi32, #tpu.memory_space<vmem>>, vector<16xi32>,
    } {sc.loop_unroll_factor = 1 : i64, sc.parallel_access}
    "tpu.trace_stop"() : () -> ()
    "tpu.trace_start"() <{level = 10 : i32, message = "bar"}> : () -> ()
    %barrier3A = arith.constant 0 : index
    tpu.barrier barrier_id(%barrier3A)
    "tpu.trace_stop"() : () -> ()
    "tpu.trace_start"() <{level = 10 : i32, message = "gather"}> : () -> ()
    %dma_start3A_13 = arith.constant 0 : i32
    %dma_start3A_14 = tpu.memref_slice %arg9[%dma_start3A_13] : memref<100000xf32, #tpu.memory_space<vmem_shared>> -> memref<100000xf32, #tpu.memory_space<vmem_shared>>
    tpu.enqueue_indirect_dma source(%dma_start3A_14 : memref<100000xf32, #tpu.memory_space<vmem_shared>>) target(%arg7 : memref<6400xf32, #tpu.memory_space<vmem>>) offsets(%arg6 : memref<6400xi32, #tpu.memory_space<vmem>>) semaphore(%arg12 : memref<!tpu.dma_semaphore, #tpu.memory_space<semaphore_mem>>)
    %dma_wait3A_15 = arith.constant 0 : i32
    %dma_wait3A_16 = tpu.memref_slice %arg9[%dma_wait3A_15] : memref<100000xf32, #tpu.memory_space<vmem_shared>> -> memref<100000xf32, #tpu.memory_space<vmem_shared>>
    tpu.wait_indirect_dma semaphore(%arg12 : memref<!tpu.dma_semaphore, #tpu.memory_space<semaphore_mem>>) src(%dma_wait3A_16 : memref<100000xf32, #tpu.memory_space<vmem_shared>>) dst(%arg7 : memref<6400xf32, #tpu.memory_space<vmem>>)
    %parallel_loop3A_17 = arith.constant 0 : i32
    %parallel_loop3A_18 = arith.constant 50 : i32
    %parallel_loop3A_19 = arith.constant 1 : i32
    "tpu.trace_stop"() : () -> ()
    "tpu.trace_start"() <{level = 10 : i32, message = "casc"}> : () -> ()
    %parallel_loop3A_20:8 = scf.for %parallel_loop3A_21 = %parallel_loop3A_17 to %parallel_loop3A_18 step %parallel_loop3A_19 iter_args(%parallel_loop3A_22 = %broadcast_in_dim3A_10, %parallel_loop3A_23 = %broadcast_in_dim3A_10, %parallel_loop3A_24 = %broadcast_in_dim3A_10, %parallel_loop3A_25 = %broadcast_in_dim3A_10, %parallel_loop3A_26 = %broadcast_in_dim3A_10, %parallel_loop3A_27 = %broadcast_in_dim3A_10, %parallel_loop3A_28 = %broadcast_in_dim3A_10, %parallel_loop3A_29 = %broadcast_in_dim3A_10) -> (vector<16xf32>, vector<16xf32>, vector<16xf32>, vector<16xf32>, vector<16xf32>, vector<16xf32>, vector<16xf32>, vector<16xf32>)  : i32 {
      %parallel_loop3A_30 = arith.constant 128 : i32
      %parallel_loop3A_31 = arith.muli %parallel_loop3A_21, %parallel_loop3A_30 : i32
      %parallel_loop3A_32 = arith.constant 0 : i32
      %parallel_loop3A_33 = arith.addi %parallel_loop3A_31, %parallel_loop3A_32 : i32
      %parallel_loop3A_34 = arith.index_cast %parallel_loop3A_33 : i32 to index
      %parallel_loop3A_35 = tpu.vector_load %arg7[%parallel_loop3A_34] {strides = array<i32>} : memref<6400xf32, #tpu.memory_space<vmem>>, vector<16xf32>,
      %parallel_loop3A_36 = arith.constant 0.000000e+00 : f32
      %parallel_loop3A_37 = vector.broadcast %parallel_loop3A_36 : f32 to vector<16xf32>
      %parallel_loop3A_38 = arith.subf %parallel_loop3A_37, %parallel_loop3A_35 : vector<16xf32>
      %parallel_loop3A_39 = math.exp %parallel_loop3A_38 : vector<16xf32>
      %parallel_loop3A_40 = arith.constant 1.000000e+00 : f32
      %parallel_loop3A_41 = vector.broadcast %parallel_loop3A_40 : f32 to vector<16xf32>
      %parallel_loop3A_42 = arith.addf %parallel_loop3A_41, %parallel_loop3A_39 : vector<16xf32>
      %parallel_loop3A_43 = arith.constant 1.000000e+00 : f32
      %parallel_loop3A_44 = vector.broadcast %parallel_loop3A_43 : f32 to vector<16xf32>
      %parallel_loop3A_45 = arith.divf %parallel_loop3A_44, %parallel_loop3A_42 : vector<16xf32>
      %parallel_loop3A_46 = arith.mulf %parallel_loop3A_22, %parallel_loop3A_45 : vector<16xf32>
      %parallel_loop3A_47 = arith.constant 0 : i32
      %parallel_loop3A_48 = arith.addi %parallel_loop3A_47, %parallel_loop3A_21 : i32
      %parallel_loop3A_49 = vector.broadcast %parallel_loop3A_48 : i32 to vector<16xi32>
      %parallel_loop3A_50 = arith.addi %mul3A_9, %parallel_loop3A_49 : vector<16xi32>
      tpu.vector_store_idx %arg8[%parallel_loop3A_50], %parallel_loop3A_46 : memref<6400xf32, #tpu.memory_space<vmem>>[vector<16xi32>], vector<16xf32>,
      %parallel_loop3A_51 = arith.subf %parallel_loop3A_22, %parallel_loop3A_46 : vector<16xf32>
      %parallel_loop3A_52 = arith.constant 128 : i32
      %parallel_loop3A_53 = arith.muli %parallel_loop3A_21, %parallel_loop3A_52 : i32
      %parallel_loop3A_54 = arith.constant 16 : i32
      %parallel_loop3A_55 = arith.addi %parallel_loop3A_53, %parallel_loop3A_54 : i32
      %parallel_loop3A_56 = arith.index_cast %parallel_loop3A_55 : i32 to index
      %parallel_loop3A_57 = tpu.vector_load %arg7[%parallel_loop3A_56] {strides = array<i32>} : memref<6400xf32, #tpu.memory_space<vmem>>, vector<16xf32>,
      %parallel_loop3A_58 = arith.constant 0.000000e+00 : f32
      %parallel_loop3A_59 = vector.broadcast %parallel_loop3A_58 : f32 to vector<16xf32>
      %parallel_loop3A_60 = arith.subf %parallel_loop3A_59, %parallel_loop3A_57 : vector<16xf32>
      %parallel_loop3A_61 = math.exp %parallel_loop3A_60 : vector<16xf32>
      %parallel_loop3A_62 = arith.constant 1.000000e+00 : f32
      %parallel_loop3A_63 = vector.broadcast %parallel_loop3A_62 : f32 to vector<16xf32>
      %parallel_loop3A_64 = arith.addf %parallel_loop3A_63, %parallel_loop3A_61 : vector<16xf32>
      %parallel_loop3A_65 = arith.constant 1.000000e+00 : f32
      %parallel_loop3A_66 = vector.broadcast %parallel_loop3A_65 : f32 to vector<16xf32>
      %parallel_loop3A_67 = arith.divf %parallel_loop3A_66, %parallel_loop3A_64 : vector<16xf32>
      %parallel_loop3A_68 = arith.mulf %parallel_loop3A_23, %parallel_loop3A_67 : vector<16xf32>
      %parallel_loop3A_69 = arith.constant 800 : i32
      %parallel_loop3A_70 = arith.addi %parallel_loop3A_69, %parallel_loop3A_21 : i32
      %parallel_loop3A_71 = vector.broadcast %parallel_loop3A_70 : i32 to vector<16xi32>
      %parallel_loop3A_72 = arith.addi %mul3A_9, %parallel_loop3A_71 : vector<16xi32>
      tpu.vector_store_idx %arg8[%parallel_loop3A_72], %parallel_loop3A_68 : memref<6400xf32, #tpu.memory_space<vmem>>[vector<16xi32>], vector<16xf32>,
      %parallel_loop3A_73 = arith.subf %parallel_loop3A_23, %parallel_loop3A_68 : vector<16xf32>
      %parallel_loop3A_74 = arith.constant 128 : i32
      %parallel_loop3A_75 = arith.muli %parallel_loop3A_21, %parallel_loop3A_74 : i32
      %parallel_loop3A_76 = arith.constant 32 : i32
      %parallel_loop3A_77 = arith.addi %parallel_loop3A_75, %parallel_loop3A_76 : i32
      %parallel_loop3A_78 = arith.index_cast %parallel_loop3A_77 : i32 to index
      %parallel_loop3A_79 = tpu.vector_load %arg7[%parallel_loop3A_78] {strides = array<i32>} : memref<6400xf32, #tpu.memory_space<vmem>>, vector<16xf32>,
      %parallel_loop3A_80 = arith.constant 0.000000e+00 : f32
      %parallel_loop3A_81 = vector.broadcast %parallel_loop3A_80 : f32 to vector<16xf32>
      %parallel_loop3A_82 = arith.subf %parallel_loop3A_81, %parallel_loop3A_79 : vector<16xf32>
      %parallel_loop3A_83 = math.exp %parallel_loop3A_82 : vector<16xf32>
      %parallel_loop3A_84 = arith.constant 1.000000e+00 : f32
      %parallel_loop3A_85 = vector.broadcast %parallel_loop3A_84 : f32 to vector<16xf32>
      %parallel_loop3A_86 = arith.addf %parallel_loop3A_85, %parallel_loop3A_83 : vector<16xf32>
      %parallel_loop3A_87 = arith.constant 1.000000e+00 : f32
      %parallel_loop3A_88 = vector.broadcast %parallel_loop3A_87 : f32 to vector<16xf32>
      %parallel_loop3A_89 = arith.divf %parallel_loop3A_88, %parallel_loop3A_86 : vector<16xf32>
      %parallel_loop3A_90 = arith.mulf %parallel_loop3A_24, %parallel_loop3A_89 : vector<16xf32>
      %parallel_loop3A_91 = arith.constant 1600 : i32
      %parallel_loop3A_92 = arith.addi %parallel_loop3A_91, %parallel_loop3A_21 : i32
      %parallel_loop3A_93 = vector.broadcast %parallel_loop3A_92 : i32 to vector<16xi32>
      %parallel_loop3A_94 = arith.addi %mul3A_9, %parallel_loop3A_93 : vector<16xi32>
      tpu.vector_store_idx %arg8[%parallel_loop3A_94], %parallel_loop3A_90 : memref<6400xf32, #tpu.memory_space<vmem>>[vector<16xi32>], vector<16xf32>,
      %parallel_loop3A_95 = arith.subf %parallel_loop3A_24, %parallel_loop3A_90 : vector<16xf32>
      %parallel_loop3A_96 = arith.constant 128 : i32
      %parallel_loop3A_97 = arith.muli %parallel_loop3A_21, %parallel_loop3A_96 : i32
      %parallel_loop3A_98 = arith.constant 48 : i32
      %parallel_loop3A_99 = arith.addi %parallel_loop3A_97, %parallel_loop3A_98 : i32
      %parallel_loop3A_100 = arith.index_cast %parallel_loop3A_99 : i32 to index
      %parallel_loop3A_101 = tpu.vector_load %arg7[%parallel_loop3A_100] {strides = array<i32>} : memref<6400xf32, #tpu.memory_space<vmem>>, vector<16xf32>,
      %parallel_loop3A_102 = arith.constant 0.000000e+00 : f32
      %parallel_loop3A_103 = vector.broadcast %parallel_loop3A_102 : f32 to vector<16xf32>
      %parallel_loop3A_104 = arith.subf %parallel_loop3A_103, %parallel_loop3A_101 : vector<16xf32>
      %parallel_loop3A_105 = math.exp %parallel_loop3A_104 : vector<16xf32>
      %parallel_loop3A_106 = arith.constant 1.000000e+00 : f32
      %parallel_loop3A_107 = vector.broadcast %parallel_loop3A_106 : f32 to vector<16xf32>
      %parallel_loop3A_108 = arith.addf %parallel_loop3A_107, %parallel_loop3A_105 : vector<16xf32>
      %parallel_loop3A_109 = arith.constant 1.000000e+00 : f32
      %parallel_loop3A_110 = vector.broadcast %parallel_loop3A_109 : f32 to vector<16xf32>
      %parallel_loop3A_111 = arith.divf %parallel_loop3A_110, %parallel_loop3A_108 : vector<16xf32>
      %parallel_loop3A_112 = arith.mulf %parallel_loop3A_25, %parallel_loop3A_111 : vector<16xf32>
      %parallel_loop3A_113 = arith.constant 2400 : i32
      %parallel_loop3A_114 = arith.addi %parallel_loop3A_113, %parallel_loop3A_21 : i32
      %parallel_loop3A_115 = vector.broadcast %parallel_loop3A_114 : i32 to vector<16xi32>
      %parallel_loop3A_116 = arith.addi %mul3A_9, %parallel_loop3A_115 : vector<16xi32>
      tpu.vector_store_idx %arg8[%parallel_loop3A_116], %parallel_loop3A_112 : memref<6400xf32, #tpu.memory_space<vmem>>[vector<16xi32>], vector<16xf32>,
      %parallel_loop3A_117 = arith.subf %parallel_loop3A_25, %parallel_loop3A_112 : vector<16xf32>
      %parallel_loop3A_118 = arith.constant 128 : i32
      %parallel_loop3A_119 = arith.muli %parallel_loop3A_21, %parallel_loop3A_118 : i32
      %parallel_loop3A_120 = arith.constant 64 : i32
      %parallel_loop3A_121 = arith.addi %parallel_loop3A_119, %parallel_loop3A_120 : i32
      %parallel_loop3A_122 = arith.index_cast %parallel_loop3A_121 : i32 to index
      %parallel_loop3A_123 = tpu.vector_load %arg7[%parallel_loop3A_122] {strides = array<i32>} : memref<6400xf32, #tpu.memory_space<vmem>>, vector<16xf32>,
      %parallel_loop3A_124 = arith.constant 0.000000e+00 : f32
      %parallel_loop3A_125 = vector.broadcast %parallel_loop3A_124 : f32 to vector<16xf32>
      %parallel_loop3A_126 = arith.subf %parallel_loop3A_125, %parallel_loop3A_123 : vector<16xf32>
      %parallel_loop3A_127 = math.exp %parallel_loop3A_126 : vector<16xf32>
      %parallel_loop3A_128 = arith.constant 1.000000e+00 : f32
      %parallel_loop3A_129 = vector.broadcast %parallel_loop3A_128 : f32 to vector<16xf32>
      %parallel_loop3A_130 = arith.addf %parallel_loop3A_129, %parallel_loop3A_127 : vector<16xf32>
      %parallel_loop3A_131 = arith.constant 1.000000e+00 : f32
      %parallel_loop3A_132 = vector.broadcast %parallel_loop3A_131 : f32 to vector<16xf32>
      %parallel_loop3A_133 = arith.divf %parallel_loop3A_132, %parallel_loop3A_130 : vector<16xf32>
      %parallel_loop3A_134 = arith.mulf %parallel_loop3A_26, %parallel_loop3A_133 : vector<16xf32>
      %parallel_loop3A_135 = arith.constant 3200 : i32
      %parallel_loop3A_136 = arith.addi %parallel_loop3A_135, %parallel_loop3A_21 : i32
      %parallel_loop3A_137 = vector.broadcast %parallel_loop3A_136 : i32 to vector<16xi32>
      %parallel_loop3A_138 = arith.addi %mul3A_9, %parallel_loop3A_137 : vector<16xi32>
      tpu.vector_store_idx %arg8[%parallel_loop3A_138], %parallel_loop3A_134 : memref<6400xf32, #tpu.memory_space<vmem>>[vector<16xi32>], vector<16xf32>,
      %parallel_loop3A_139 = arith.subf %parallel_loop3A_26, %parallel_loop3A_134 : vector<16xf32>
      %parallel_loop3A_140 = arith.constant 128 : i32
      %parallel_loop3A_141 = arith.muli %parallel_loop3A_21, %parallel_loop3A_140 : i32
      %parallel_loop3A_142 = arith.constant 80 : i32
      %parallel_loop3A_143 = arith.addi %parallel_loop3A_141, %parallel_loop3A_142 : i32
      %parallel_loop3A_144 = arith.index_cast %parallel_loop3A_143 : i32 to index
      %parallel_loop3A_145 = tpu.vector_load %arg7[%parallel_loop3A_144] {strides = array<i32>} : memref<6400xf32, #tpu.memory_space<vmem>>, vector<16xf32>,
      %parallel_loop3A_146 = arith.constant 0.000000e+00 : f32
      %parallel_loop3A_147 = vector.broadcast %parallel_loop3A_146 : f32 to vector<16xf32>
      %parallel_loop3A_148 = arith.subf %parallel_loop3A_147, %parallel_loop3A_145 : vector<16xf32>
      %parallel_loop3A_149 = math.exp %parallel_loop3A_148 : vector<16xf32>
      %parallel_loop3A_150 = arith.constant 1.000000e+00 : f32
      %parallel_loop3A_151 = vector.broadcast %parallel_loop3A_150 : f32 to vector<16xf32>
      %parallel_loop3A_152 = arith.addf %parallel_loop3A_151, %parallel_loop3A_149 : vector<16xf32>
      %parallel_loop3A_153 = arith.constant 1.000000e+00 : f32
      %parallel_loop3A_154 = vector.broadcast %parallel_loop3A_153 : f32 to vector<16xf32>
      %parallel_loop3A_155 = arith.divf %parallel_loop3A_154, %parallel_loop3A_152 : vector<16xf32>
      %parallel_loop3A_156 = arith.mulf %parallel_loop3A_27, %parallel_loop3A_155 : vector<16xf32>
      %parallel_loop3A_157 = arith.constant 4000 : i32
      %parallel_loop3A_158 = arith.addi %parallel_loop3A_157, %parallel_loop3A_21 : i32
      %parallel_loop3A_159 = vector.broadcast %parallel_loop3A_158 : i32 to vector<16xi32>
      %parallel_loop3A_160 = arith.addi %mul3A_9, %parallel_loop3A_159 : vector<16xi32>
      tpu.vector_store_idx %arg8[%parallel_loop3A_160], %parallel_loop3A_156 : memref<6400xf32, #tpu.memory_space<vmem>>[vector<16xi32>], vector<16xf32>,
      %parallel_loop3A_161 = arith.subf %parallel_loop3A_27, %parallel_loop3A_156 : vector<16xf32>
      %parallel_loop3A_162 = arith.constant 128 : i32
      %parallel_loop3A_163 = arith.muli %parallel_loop3A_21, %parallel_loop3A_162 : i32
      %parallel_loop3A_164 = arith.constant 96 : i32
      %parallel_loop3A_165 = arith.addi %parallel_loop3A_163, %parallel_loop3A_164 : i32
      %parallel_loop3A_166 = arith.index_cast %parallel_loop3A_165 : i32 to index
      %parallel_loop3A_167 = tpu.vector_load %arg7[%parallel_loop3A_166] {strides = array<i32>} : memref<6400xf32, #tpu.memory_space<vmem>>, vector<16xf32>,
      %parallel_loop3A_168 = arith.constant 0.000000e+00 : f32
      %parallel_loop3A_169 = vector.broadcast %parallel_loop3A_168 : f32 to vector<16xf32>
      %parallel_loop3A_170 = arith.subf %parallel_loop3A_169, %parallel_loop3A_167 : vector<16xf32>
      %parallel_loop3A_171 = math.exp %parallel_loop3A_170 : vector<16xf32>
      %parallel_loop3A_172 = arith.constant 1.000000e+00 : f32
      %parallel_loop3A_173 = vector.broadcast %parallel_loop3A_172 : f32 to vector<16xf32>
      %parallel_loop3A_174 = arith.addf %parallel_loop3A_173, %parallel_loop3A_171 : vector<16xf32>
      %parallel_loop3A_175 = arith.constant 1.000000e+00 : f32
      %parallel_loop3A_176 = vector.broadcast %parallel_loop3A_175 : f32 to vector<16xf32>
      %parallel_loop3A_177 = arith.divf %parallel_loop3A_176, %parallel_loop3A_174 : vector<16xf32>
      %parallel_loop3A_178 = arith.mulf %parallel_loop3A_28, %parallel_loop3A_177 : vector<16xf32>
      %parallel_loop3A_179 = arith.constant 4800 : i32
      %parallel_loop3A_180 = arith.addi %parallel_loop3A_179, %parallel_loop3A_21 : i32
      %parallel_loop3A_181 = vector.broadcast %parallel_loop3A_180 : i32 to vector<16xi32>
      %parallel_loop3A_182 = arith.addi %mul3A_9, %parallel_loop3A_181 : vector<16xi32>
      tpu.vector_store_idx %arg8[%parallel_loop3A_182], %parallel_loop3A_178 : memref<6400xf32, #tpu.memory_space<vmem>>[vector<16xi32>], vector<16xf32>,
      %parallel_loop3A_183 = arith.subf %parallel_loop3A_28, %parallel_loop3A_178 : vector<16xf32>
      %parallel_loop3A_184 = arith.constant 128 : i32
      %parallel_loop3A_185 = arith.muli %parallel_loop3A_21, %parallel_loop3A_184 : i32
      %parallel_loop3A_186 = arith.constant 112 : i32
      %parallel_loop3A_187 = arith.addi %parallel_loop3A_185, %parallel_loop3A_186 : i32
      %parallel_loop3A_188 = arith.index_cast %parallel_loop3A_187 : i32 to index
      %parallel_loop3A_189 = tpu.vector_load %arg7[%parallel_loop3A_188] {strides = array<i32>} : memref<6400xf32, #tpu.memory_space<vmem>>, vector<16xf32>,
      %parallel_loop3A_190 = arith.constant 0.000000e+00 : f32
      %parallel_loop3A_191 = vector.broadcast %parallel_loop3A_190 : f32 to vector<16xf32>
      %parallel_loop3A_192 = arith.subf %parallel_loop3A_191, %parallel_loop3A_189 : vector<16xf32>
      %parallel_loop3A_193 = math.exp %parallel_loop3A_192 : vector<16xf32>
      %parallel_loop3A_194 = arith.constant 1.000000e+00 : f32
      %parallel_loop3A_195 = vector.broadcast %parallel_loop3A_194 : f32 to vector<16xf32>
      %parallel_loop3A_196 = arith.addf %parallel_loop3A_195, %parallel_loop3A_193 : vector<16xf32>
      %parallel_loop3A_197 = arith.constant 1.000000e+00 : f32
      %parallel_loop3A_198 = vector.broadcast %parallel_loop3A_197 : f32 to vector<16xf32>
      %parallel_loop3A_199 = arith.divf %parallel_loop3A_198, %parallel_loop3A_196 : vector<16xf32>
      %parallel_loop3A_200 = arith.mulf %parallel_loop3A_29, %parallel_loop3A_199 : vector<16xf32>
      %parallel_loop3A_201 = arith.constant 5600 : i32
      %parallel_loop3A_202 = arith.addi %parallel_loop3A_201, %parallel_loop3A_21 : i32
      %parallel_loop3A_203 = vector.broadcast %parallel_loop3A_202 : i32 to vector<16xi32>
      %parallel_loop3A_204 = arith.addi %mul3A_9, %parallel_loop3A_203 : vector<16xi32>
      tpu.vector_store_idx %arg8[%parallel_loop3A_204], %parallel_loop3A_200 : memref<6400xf32, #tpu.memory_space<vmem>>[vector<16xi32>], vector<16xf32>,
      %parallel_loop3A_205 = arith.subf %parallel_loop3A_29, %parallel_loop3A_200 : vector<16xf32>
      scf.yield %parallel_loop3A_51, %parallel_loop3A_73, %parallel_loop3A_95, %parallel_loop3A_117, %parallel_loop3A_139, %parallel_loop3A_161, %parallel_loop3A_183, %parallel_loop3A_205 : vector<16xf32>, vector<16xf32>, vector<16xf32>, vector<16xf32>, vector<16xf32>, vector<16xf32>, vector<16xf32>, vector<16xf32>
    } {sc.loop_unroll_factor = 1 : i64, sc.parallel_access}
    "tpu.trace_stop"() : () -> ()
    "tpu.trace_start"() <{level = 10 : i32, message = "wb"}> : () -> ()
    "tpu.region"() ({
      %run_scoped3A = tpu.sem_alloc : memref<!tpu.dma_semaphore, #tpu.memory_space<semaphore_mem>>
      %dma_start3A_21 = tpu.memref_slice %arg4[%mul3A_2] : memref<204800xf32, #tpu.memory_space<hbm>> -> memref<6400xf32, #tpu.memory_space<hbm>>
      %dma_start3A_22 = tpu.memref_slice %arg4[%mul3A_2] : memref<204800xf32, #tpu.memory_space<hbm>> -> memref<6400xf32, #tpu.memory_space<hbm>>
      tpu.enqueue_dma source(%arg8 : memref<6400xf32, #tpu.memory_space<vmem>>) target(%dma_start3A_22 : memref<6400xf32, #tpu.memory_space<hbm>>) target_semaphore(%run_scoped3A : memref<!tpu.dma_semaphore, #tpu.memory_space<semaphore_mem>>)
      %dma_wait3A_23 = tpu.memref_slice %arg4[%mul3A_2] : memref<204800xf32, #tpu.memory_space<hbm>> -> memref<6400xf32, #tpu.memory_space<hbm>>
      %dma_wait3A_24 = tpu.memref_slice %arg4[%mul3A_2] : memref<204800xf32, #tpu.memory_space<hbm>> -> memref<6400xf32, #tpu.memory_space<hbm>>
      tpu.wait_dma2 semaphore(%run_scoped3A : memref<!tpu.dma_semaphore, #tpu.memory_space<semaphore_mem>>) src(%arg8 : memref<6400xf32, #tpu.memory_space<vmem>>) dst(%dma_wait3A_24 : memref<6400xf32, #tpu.memory_space<hbm>>)
      tpu.yield
    }) : () -> ()
    "tpu.trace_stop"() : () -> ()
    return
  }
}

</mosaic_0001>

<sc_bundles>
// kernel: kernel.3.cloned.1.call-start
scs
__scs_entry_jumppad:
0x0: {  	(pc) =	sbr.rel $0x88, $3  }
0x1: {  	(tag) =	ssettag $0x0;
	lr =	simm.s32 $0x1  }
0x2: {  	[smem:$0x3F9F] =	sst lr;
	_ =	strace $0xD0000000  }
0x3: {  	_ = 	snop  }
0x4: {  	_ = 	snop  }
0x5: {  	_ = 	snop  }
0x6: {  	_ = 	snop  }
0x7: {  	_ = 	snop  }
__scs_overlays_trampoline_lowered:
0x8: {  	[smem:$0x3FAE] =	sst s0  }
0x9: {  	[smem:$0x3FAF] =	sst s1  }
0xa: {  	[smem:$0x3FB0] =	sst s2  }
0xb: {  	[smem:$0x3FB1] =	sst s3  }
0xc: {  	[smem:$0x3FB2] =	sst s4  }
0xd: {  	[smem:$0x3FB3] =	sst s5  }
0xe: {  	[smem:$0x3FB4] =	sst s6  }
0xf: {  	[smem:$0x3FB5] =	sst s7  }
0x10: {  	[smem:$0x3FB6] =	sst s8  }
0x11: {  	[smem:$0x3FB7] =	sst s9;
	s0 =	simm.s32 @!p0 $0x0  }
0x12: {  	s1 =	sld [smem:$0x3F9D];
	s0 =	simm.s32 @p0 $0x1  }
0x13: {  	[smem:$0x3FB8] =	sst s0;
	s0 =	simm.s32 @!p1 $0x0  }
0x14: {  	s2 =	sld [smem:$0x3F9C];
	s0 =	simm.s32 @p1 $0x1  }
0x15: {  	[smem:$0x3FB9] =	sst s0;
	s0 =	simm.s32 @!p2 $0x0  }
0x16: {  	s3 =	sld [smem:$0x3FDB];
	s0 =	simm.s32 @p2 $0x1  }
0x17: {  	s4 =	simm.s32 $0x1BF5;
	[smem:$0x3FBB] =	sst s0  }
0x18: {  	s0 =	sld [smem:$0x3F9E];
	_ =	swait.ge [sflag:s4], $0x0  }
0x19: {  	s7 =	sld [smem:$0x3F9F]  }
0x1a: {  	s8 =	sadd.s32 $0xFFFFE003, lr  }
0x1b: {  	s9 =	sadd.s32 $0xFFFFFEF7, lr;
	s5 =	simm.s32 $0xFFFFFFFF;
	p2 =	slt.u32 s8, $0xFFFFF086  }
0x1c: {  	p1 =	slt.u32 s9, $0xF7A;
	s5 =	simm.s32 @!p2 $0x0  }
0x1d: {  	s5 =	simm.s32 @p1 $0x1;
	p0 =	seq.s32 s7, s2  }
0x1e: {  	s7 =	smul.u32 @!p0 $0xF7A, s2;
	p2 =	seq.s32 @!p0 s5, $0x0  }
0x1f: {  	s9 =	smul.u32 $0xF7A, s1;
	s8 =	simm.s32 @!p0 $0x1BF5;
	p2 =	por !p2, p0  }
0x20: {  	[sflag:s8] =	ssyncset.s32 @!p0 $0xFFFFF086;
	s6 =	sadd.s32 @!p0 s3, s7;
	s7 =	simm.s32 @!p0 $0x108  }
0x21: {  	s3 =	sadd.s32 s3, s9;
	s6 =	sadd.s32 @!p0 $0x88, s6;
	s7 =	simm.s32 @p2 $0x1082  }
0x22: {  	[simem:s7], [sflag:s8] =	dma.local @!p0 [hbm:s6], $0xF7A  }
0x23: {  	s9 =	sor.u32 $0xD0000000, s2;
	s6 =	simm.s32 $0x108;
	_ =	swait.ge @!p0 [sflag:s8], $0x0  }
0x24: {  	s3 =	sadd.s32 $0x88, s3;
	s6 =	simm.s32 @!p1 $0x1082;
	[sflag:s4] =	ssyncset.s32 $0xFFFFF086  }
0x25: {  	[simem:s6], [sflag:s4] =	dma.local [hbm:s3], $0xF7A  }
0x26: {  	[smem:$0x3F9F] =	sst s1;
	(tag) =	ssettag s2;
	_ =	strace s9  }
0x27: {  	s1 =	sld [smem:$0x3FAF]  }
0x28: {  	s2 =	sld [smem:$0x3FB0]  }
0x29: {  	s4 =	sld [smem:$0x3FB2]  }
0x2a: {  	p0 =	seq.s32 s5, $0x0;
	s5 =	sld [smem:$0x3FB3]  }
0x2b: {  	s6 =	sld [smem:$0x3FB4]  }
0x2c: {  	s7 =	sld [smem:$0x3FB5]  }
0x2d: {  	s3 =	simm.s32 $0x108;
	s8 =	sld [smem:$0x3FB6]  }
0x2e: {  	s3 =	simm.s32 @!p0 $0x1082;
	s9 =	sld [smem:$0x3FB7]  }
0x2f: {  	lr =	sadd.s32 s0, s3;
	s0 =	sld [smem:$0x3FAE]  }
0x30: {  	s3 =	sld [smem:$0x3FB1]  }
0x31: {  	[smem:$0x3FBA] =	sst s10  }
0x32: {  	s10 =	sld [smem:$0x3FB8];
	_ =	sdelay $0x3  }
0x33: {  	p0 =	seq.s32 s10, $0x1;
	s10 =	sld [smem:$0x3FBA];
	_ =	sdelay $0x3  }
0x34: {  	[smem:$0x3FBA] =	sst s10  }
0x35: {  	s10 =	sld [smem:$0x3FB9];
	_ =	sdelay $0x3  }
0x36: {  	p1 =	seq.s32 s10, $0x1;
	s10 =	sld [smem:$0x3FBA];
	_ =	sdelay $0x3  }
0x37: {  	[smem:$0x3FBA] =	sst s10  }
0x38: {  	s10 =	sld [smem:$0x3FBB]  }
0x39: {  	_ = 	snop;
	(pc) =	sbr.ind lr, $3  }
0x3a: {  	_ = 	snop  }
0x3b: {  	_ = 	snop  }
0x3c: {  	p2 =	seq.s32 s10, $0x1;
	s10 =	sld [smem:$0x3FBA]  }
0x3d: {  	_ =	shalt  }
0x3e: {  	_ =	shalt  }
0x3f: {  	_ =	shalt  }
0x40: {  	_ =	shalt  }
0x41: {  	_ =	shalt  }
0x42: {  	_ =	shalt  }
0x43: {  	_ =	shalt  }
0x44: {  	_ =	shalt  }
0x45: {  	_ =	shalt  }
0x46: {  	_ =	shalt  }
0x47: {  	_ =	shalt  }
0x48: {  	_ =	shalt  }
0x49: {  	_ =	shalt  }
0x4a: {  	_ =	shalt  }
0x4b: {  	_ =	shalt  }
0x4c: {  	_ =	shalt  }
0x4d: {  	_ =	shalt  }
0x4e: {  	_ =	shalt  }
0x4f: {  	_ =	shalt  }
0x50: {  	_ =	shalt  }
0x51: {  	_ =	shalt  }
0x52: {  	_ =	shalt  }
0x53: {  	_ =	shalt  }
0x54: {  	_ =	shalt  }
0x55: {  	_ =	shalt  }
0x56: {  	_ =	shalt  }
0x57: {  	_ =	shalt  }
0x58: {  	_ =	shalt  }
0x59: {  	_ =	shalt  }
0x5a: {  	_ =	shalt  }
0x5b: {  	_ =	shalt  }
0x5c: {  	_ =	shalt  }
0x5d: {  	_ =	shalt  }
0x5e: {  	_ =	shalt  }
0x5f: {  	_ =	shalt  }
0x60: {  	_ =	shalt  }
0x61: {  	_ =	shalt  }
0x62: {  	_ =	shalt  }
0x63: {  	_ =	shalt  }
0x64: {  	_ =	shalt  }
0x65: {  	_ =	shalt  }
0x66: {  	_ =	shalt  }
0x67: {  	_ =	shalt  }
0x68: {  	_ =	shalt  }
0x69: {  	_ =	shalt  }
0x6a: {  	_ =	shalt  }
0x6b: {  	_ =	shalt  }
0x6c: {  	_ =	shalt  }
0x6d: {  	_ =	shalt  }
0x6e: {  	_ =	shalt  }
0x6f: {  	_ =	shalt  }
0x70: {  	_ =	shalt  }
0x71: {  	_ =	shalt  }
0x72: {  	_ =	shalt  }
0x73: {  	_ =	shalt  }
0x74: {  	_ =	shalt  }
0x75: {  	_ =	shalt  }
0x76: {  	_ =	shalt  }
0x77: {  	_ =	shalt  }
0x78: {  	_ =	shalt  }
0x79: {  	_ =	shalt  }
0x7a: {  	_ =	shalt  }
0x7b: {  	_ =	shalt  }
0x7c: {  	_ =	shalt  }
0x7d: {  	_ =	shalt  }
0x7e: {  	_ =	shalt  }
0x7f: {  	_ =	shalt  }
0x80: {  	_ =	shalt  }
0x81: {  	_ =	shalt  }
0x82: {  	_ =	shalt  }
0x83: {  	_ =	shalt  }
0x84: {  	_ =	shalt  }
0x85: {  	_ =	shalt  }
0x86: {  	_ =	shalt  }
0x87: {  	_ =	shalt  }
.Lfunc_end0:
.L_simem_size_0:
called_computation_lowered:
.L_overlay_start_0:
0x88: {  	s2 =	sld [smem:$0x3FD9]  }
0x89: {  	s3 =	sld [smem:$0x3FFE];
	_ =	sdelay $0x1  }
0x8a: {  	s1 =	srdreg.scid  }
0x8b: {  	s0 =	sand.u32 $0x1, s1  }
0x8c: {  	s17 =	sshll.u32 s0, $0xA;
	s2 =	sadd.s32 s3, s2  }
0x8d: {  	s2 =	sadd.s32 s2, s17  }
0x8e: {  	[smem:$0x3FC6] =	sst s2  }
0x8f: {  	_ = 	snop  }
0x90: {  	s2 =	sld [smem:$0x3FD0];
	(tm) =	ssettm $0x1  }
0x91: {  	s18 =	sld [smem:$0x3FFB];
	_ =	sdelay $0x3  }
0x92: {  	_ =	strace s18  }
0x93: {  	s3 =	sld [smem:$0x3FFC];
	_ =	sdelay $0x3  }
0x94: {  	_ =	strace s3  }
0x95: {  	s3 =	sld [smem:$0x3FFD];
	_ =	sdelay $0x3  }
0x96: {  	_ =	strace s3  }
0x97: {  	_ =	strace $0x8FFFFFFF  }
0x98: {  	s19 =	sld [smem:$0x3FDB];
	_ =	sdelay $0x1  }
0x99: {  	s4 =	simm.s32 $_scs_section_size  }
0x9a: {  	s5 =	simm.s32 $_size__tile_overlayer_lowered;
	s6 =	simm.s32 $_tile_overlayer_lowered  }
0x9b: {  	s22 =	simm.s32 $0x1BFF;
	s21 =	sshll.u32 s6, $0x1;
	s3 =	sadd.s32 s4, s19  }
0x9c: {  	s7 =	simm.s32 $0x0;
	s20 =	sshll.u32 s5, $0x1;
	s5 =	sadd.s32 s21, s3  }
0x9d: {  	[timem:s7], [sflag:s22] =	dma.local [hbm:s5], s20  }
0x9e: {  	_ =	swait.ge [sflag:s22], s20  }
0x9f: {  	s4 =	ssub.s32 $0x0, s20;
	[sflag:s22] =	ssyncset.done $0x0  }
0xa0: {  	[sflag:s22] =	ssyncadd.s32 s4;
	_ =	sdelay $0x1  }
0xa1: {  	s23 =	simm.s32 $0x1B8B  }
0xa2: {  	_ =	swait.ge [sflag:s23], $0x1  }
0xa3: {  	[sflag:s23] =	ssyncset.done $0x0  }
0xa4: {  	s25 =	simm.s32 $0x1B8E;
	s24 =	sld [smem:$0x3FFE];
	[sflag:s23] =	ssyncadd.s32 $0xFFFFFFFF  }
0xa5: {  	s26 =	simm.s32 $execute0_lowered;
	[smem:$0x3FD2] =	sst s25  }
0xa6: {  	s5 =	sshll.u32 s26, $0x1;
	_ =	strace $0x80000046;
	[dreg:$0x1] =	wrdreg $0xFFFFFFFF  }
0xa7: {  	s28 =	simm.s32 $_size_execute0_lowered;
	s3 =	sadd.s32 s3, s5;
	[dreg:$0x0] =	wrdreg $0x0  }
0xa8: {  	s5 =	sshll.u32 s28, $0x1;
	[dreg:$0x2] =	wrdreg s3  }
0xa9: {  	[dreg:$0x3] =	wrdreg s5  }
0xaa: {  	[dreg:$0x4] =	wrdreg $0xC0  }
0xab: {  	_ =	task [dreg:s7], $0x5FFFF  }
0xac: {  	[dreg:$0x1] =	wrdreg $0xFFFFFFFF  }
0xad: {  	[dreg:$0x0] =	wrdreg $0x60  }
0xae: {  	[dreg:$0x2] =	wrdreg s2  }
0xaf: {  	[dreg:$0x3] =	wrdreg s24  }
0xb0: {  	[dreg:$0x4] =	wrdreg $0x64000  }
0xb1: {  	[dreg:$0x5] =	wrdreg $0x9  }
0xb2: {  	_ =	task.clear_ibuf [dreg:s7], $0x6FFFF;
	_ =	strace $0x90000046  }
0xb3: {  	s29 =	simm.s32 $0x9;
	_ =	strace $0x8000004E  }
0xb4: {  	_ =	swait.ge [sflag:s29], $0x1  }
0xb5: {  	[sflag:s29] =	ssyncadd.s32 $0xFFFFFFFF  }
0xb6: {  	_ =	strace $0x9000004E  }
0xb7: {  	_ =	sfence  }
0xb8: {  	s30 =	sld [smem:$0x0];
	_ =	sdelay $0x2  }
0xb9: {  	s31 =	sshll.u32 s1, $0xD;
	s1 =	sshrl.u32 s1, $0x2  }
0xba: {  	s3 =	sand.u32 $0x4000, s31;
	s1 =	sadd.s32 s1, s30  }
0xbb: {  	s0 =	sor.u32 s3, s0;
	s1 =	sshll.u32 s1, $0x11  }
0xbc: {  	s0 =	sor.u32 s1, s0  }
0xbd: {  	s0 =	sadd.s32 $0x8F2B, s0  }
0xbe: {  	[sflag:s0] =	ssyncadd.remote.s32 $0x1  }
0xbf: {  	_ =	sfence.sel $0xFFFF  }
0xc0: {  	[dreg:$0x0] =	wrdreg $0xFFFFFFFF;
	(pc) =	sbr.abs _section_cstart, $3  }
0xc1: {  	[dreg:$0x1] =	wrdreg $0xFFFFFFFF  }
0xc2: {  	_ =	task.clear_ibuf [dreg:s7], $0x2FFFF;
	_ =	strace $0x9FFFFFFF  }
0xc3: {  	(tm) =	ssettm $0x7FFFFFFF  }
tec
execute0_lowered:
.L_overlay_start_1:
0x0: {  	(tag) =	ssettag $0x1  }
0x1: {  	s0 =	rddreg [dreg:$0x0]  }
0x2: {  	s4 =	rddreg [dreg:$0x1];
	s2 =	srdreg.scid  }
0x3: {  	s6 =	stileid.u32;
	s1 =	rddreg [dreg:$0x2];
	s11 =	simm.s32 $0x3  }
0x4: {  	s12 =	simm.s32 $0x4B00;
	s13 =	simm.s32 $0x4;
	s14 =	simm.s32 $0x0  }
0x5: {  	s3 =	sand.u32 $0x1, s2;
	s5 =	sshll.u32 s6, $0x1;
	s2 =	simm.s32 $0x0  }
0x6: {  	p0 =	sne.s32 s6, $0x0;
	s5 =	sor.u32 s3, s5;
	s7 =	ssub.s32 $0x2, s3  }
0x7: {  	[smem:$0x7FF] =	sst s2;
	s5 =	smul.u32 $0x320, s5;
	s8 =	sshrl.u32 s7, $0x1  }
0x8: {  	v0 =	vlaneseq.u32;
	s3 =	sadd.s32 $0x200, s4;
	_ =	strace $0x80000047;
	s7 =	ssub.s32 s7, s8  }
0x9: {  	v0 =	vmul.u32 $0x32, v0;
	s8 =	simm.s32 $0x1;
	s9 =	sadd.s32 s5, s4;
	s4 =	sadd.s32 s0, s5  }
0xa: {  	s6 =	smax.u32 s7, $0x1;
	s7 =	sshrl.u32 @!p0 s1, $0x3;
	s5 =	sadd.s32 $0x3400, s9  }
.LBB2_1:
0xb: {  	[tilespmem:s2], [sflag:$0x1] =	stream.linear.gather [hbm4b:s4+s2], $0x1900, $0x38;
	[tilespmem:$0x7C70] =	vst v63  }
0xc: {  	s0 =	simm.s32 @!p0 $0x1C02;
	_ =	strace $0x80000048  }
0xd: {  	[spmem:s7], [sflag:s0] =	dma.local @!p0 [hbm:s3], $0x30E0  }
0xe: {  	s0 =	simm.s32 @!p0 $0x2  }
0xf: {  	_ =	swait.ge @!p0 [sflag:s0], $0x30E0  }
0x10: {  	[sflag:s0] =	ssyncset.done @!p0 $0x0  }
0x11: {  	[sflag:s0] =	ssyncadd.s32 @!p0 $0xFFFFCF20  }
0x12: {  	v1 =	vadd.s32 s2, v0;
	_ =	strace $0x90000048  }
0x13: {  	_ =	swait.ge [sflag:s8], $0x1900  }
0x14: {  	[sflag:s8] =	ssyncset.done $0x0  }
0x15: {  	[sflag:s8] =	ssyncadd.s32 $0xFFFFE700  }
0x16: {  	_ =	strace $0x80000049  }
0x17: {  	s29 =	simm.s32 $0x320;
	v1 =	vld.idx.msk [tilespmem:v1+s2+$0x0], $0xffff  }
0x18: {  	s9 =	simm.s32 $0x1;
	v2 =	vadd.s32 s29, v0  }
0x19: {  	v3 =	vadd.s32 s9, v0;
	_ =	sdelay $0x1  }
0x1a: {  	s23 =	simm.s32 $0x1940  }
0x1b: {  	[tilespmem:s23+$0xFFFFFFC0] =	vst v1  }
0x1c: {  	s30 =	simm.s32 $0x640;
	v1 =	vld.idx.msk [tilespmem:v2+s2+$0x0], $0xffff  }
0x1d: {  	s31 =	simm.s32 $0x321;
	v2 =	vld.idx.msk [tilespmem:v3+s2+$0x0], $0xffff;
	v3 =	vadd.s32 s30, v0  }
0x1e: {  	s16 =	simm.s32 $0x2;
	v4 =	vadd.s32 s31, v0  }
0x1f: {  	v5 =	vadd.s32 s16, v0;
	_ =	sdelay $0x1  }
0x20: {  	s18 =	simm.s32 $0x19C0;
	[tilespmem:s23+$0xFFFFFFD0] =	vst v1  }
0x21: {  	s10 =	simm.s32 $0x960;
	[tilespmem:s18+$0xFFFFFFC0] =	vst v2;
	v1 =	vld.idx.msk [tilespmem:v3+s2+$0x0], $0xffff  }
0x22: {  	s15 =	simm.s32 $0x641;
	v2 =	vld.idx.msk [tilespmem:v4+s2+$0x0], $0xffff;
	v3 =	vadd.s32 s10, v0  }
0x23: {  	s17 =	simm.s32 $0x322;
	v4 =	vld.idx.msk [tilespmem:v5+s2+$0x0], $0xffff;
	v5 =	vadd.s32 s15, v0  }
0x24: {  	s19 =	simm.s32 $0x3;
	v6 =	vadd.s32 s17, v0  }
0x25: {  	v7 =	vadd.s32 s19, v0  }
0x26: {  	[tilespmem:s23+$0xFFFFFFE0] =	vst v1  }
0x27: {  	s20 =	simm.s32 $0xC80;
	s15 =	simm.s32 $0x1A40;
	[tilespmem:s18+$0xFFFFFFD0] =	vst v2;
	v1 =	vld.idx.msk [tilespmem:v3+s2+$0x0], $0xffff  }
0x28: {  	s21 =	simm.s32 $0x961;
	[tilespmem:s15+$0xFFFFFFC0] =	vst v4;
	v2 =	vld.idx.msk [tilespmem:v5+s2+$0x0], $0xffff;
	v3 =	vadd.s32 s20, v0  }
0x29: {  	s22 =	simm.s32 $0x642;
	v4 =	vld.idx.msk [tilespmem:v6+s2+$0x0], $0xffff;
	v5 =	vadd.s32 s21, v0  }
0x2a: {  	s24 =	simm.s32 $0x323;
	v6 =	vld.idx.msk [tilespmem:v7+s2+$0x0], $0xffff;
	v7 =	vadd.s32 s22, v0  }
0x2b: {  	v8 =	vadd.s32 s24, v0;
	s20 =	simm.s32 $0x4  }
0x2c: {  	v9 =	vadd.s32 s20, v0;
	[tilespmem:s23+$0xFFFFFFF0] =	vst v1  }
0x2d: {  	s25 =	simm.s32 $0xFA0;
	[tilespmem:s18+$0xFFFFFFE0] =	vst v2;
	v1 =	vld.idx.msk [tilespmem:v3+s2+$0x0], $0xffff  }
0x2e: {  	s26 =	simm.s32 $0xC81;
	s17 =	simm.s32 $0x1AC0;
	[tilespmem:s15+$0xFFFFFFD0] =	vst v4;
	v2 =	vld.idx.msk [tilespmem:v5+s2+$0x0], $0xffff;
	v3 =	vadd.s32 s25, v0  }
0x2f: {  	s29 =	simm.s32 $0x962;
	[tilespmem:s17+$0xFFFFFFC0] =	vst v6;
	v4 =	vld.idx.msk [tilespmem:v7+s2+$0x0], $0xffff;
	v5 =	vadd.s32 s26, v0  }
0x30: {  	s30 =	simm.s32 $0x643;
	v6 =	vld.idx.msk [tilespmem:v8+s2+$0x0], $0xffff;
	v7 =	vadd.s32 s29, v0  }
0x31: {  	v8 =	vld.idx.msk [tilespmem:v9+s2+$0x0], $0xffff;
	v9 =	vadd.s32 s30, v0  }
0x32: {  	s31 =	simm.s32 $0x324;
	[tilespmem:s23+$0x0] =	vst v1  }
0x33: {  	v10 =	vadd.s32 s31, v0;
	s22 =	simm.s32 $0x5;
	[tilespmem:s18+$0xFFFFFFF0] =	vst v2;
	v2 =	vld.idx.msk [tilespmem:v3+s2+$0x0], $0xffff  }
0x34: {  	s9 =	simm.s32 $0x12C0;
	v1 =	vadd.s32 s22, v0;
	[tilespmem:s15+$0xFFFFFFE0] =	vst v4;
	v3 =	vld.idx.msk [tilespmem:v5+s2+$0x0], $0xffff  }
0x35: {  	s10 =	simm.s32 $0xFA1;
	v4 =	vadd.s32 s9, v0;
	[tilespmem:s17+$0xFFFFFFD0] =	vst v6;
	v5 =	vld.idx.msk [tilespmem:v7+s2+$0x0], $0xffff  }
0x36: {  	s24 =	simm.s32 $0xC82;
	s21 =	simm.s32 $0x1B40;
	v6 =	vadd.s32 s10, v0;
	v7 =	vld.idx.msk [tilespmem:v9+s2+$0x0], $0xffff  }
0x37: {  	s25 =	simm.s32 $0x963;
	[tilespmem:s21+$0xFFFFFFC0] =	vst v8;
	v8 =	vadd.s32 s24, v0  }
0x38: {  	s26 =	simm.s32 $0x644;
	v9 =	vld.idx.msk [tilespmem:v10+s2+$0x0], $0xffff;
	v10 =	vadd.s32 s25, v0;
	[tilespmem:s23+$0x10] =	vst v2  }
0x39: {  	s29 =	simm.s32 $0x325;
	v11 =	vadd.s32 s26, v0;
	v1 =	vld.idx.msk [tilespmem:v1+s2+$0x0], $0xffff;
	[tilespmem:s18+$0x0] =	vst v3  }
0x3a: {  	s30 =	simm.s32 $0x15E0;
	v2 =	vadd.s32 s29, v0;
	[tilespmem:s15+$0xFFFFFFF0] =	vst v5;
	v3 =	vld.idx.msk [tilespmem:v4+s2+$0x0], $0xffff  }
0x3b: {  	s26 =	simm.s32 $0x6;
	[tilespmem:s17+$0xFFFFFFE0] =	vst v7;
	v7 =	vadd.s32 s30, v0;
	v12 =	vld.idx.msk [tilespmem:v6+s2+$0x0], $0xffff  }
0x3c: {  	s31 =	simm.s32 $0x12C1;
	v4 =	vadd.s32 s26, v0;
	v13 =	vld.idx.msk [tilespmem:v8+s2+$0x0], $0xffff  }
0x3d: {  	s24 =	simm.s32 $0x1BC0;
	s10 =	simm.s32 $0xFA2;
	[tilespmem:s21+$0xFFFFFFD0] =	vst v9;
	v14 =	vld.idx.msk [tilespmem:v10+s2+$0x0], $0xffff;
	v10 =	vadd.s32 s31, v0  }
0x3e: {  	s25 =	simm.s32 $0xC83;
	v5 =	vld.idx.msk [tilespmem:v11+s2+$0x0], $0xffff;
	[tilespmem:s24+$0xFFFFFFC0] =	vst v1;
	v1 =	vadd.s32 s10, v0  }
0x3f: {  	s29 =	simm.s32 $0x964;
	v6 =	vld.idx.msk [tilespmem:v2+s2+$0x0], $0xffff;
	v2 =	vadd.s32 s25, v0;
	[tilespmem:s23+$0x20] =	vst v3  }
0x40: {  	s30 =	simm.s32 $0x645;
	v3 =	vld.idx.msk [tilespmem:v7+s2+$0x0], $0xffff;
	v7 =	vadd.s32 s29, v0  }
0x41: {  	s31 =	simm.s32 $0x326;
	v9 =	vadd.s32 s30, v0;
	v8 =	vld.idx.msk [tilespmem:v4+s2+$0x0], $0xffff;
	[tilespmem:s18+$0x10] =	vst v12  }
0x42: {  	s25 =	simm.s32 $0x7;
	[tilespmem:s15+$0x0] =	vst v13;
	v4 =	vld.idx.msk [tilespmem:v10+s2+$0x0], $0xffff;
	v10 =	vadd.s32 s31, v0  }
0x43: {  	s28 =	simm.s32 $0x15E1;
	s0 =	simm.s32 $0x1BC0;
	s9 =	simm.s32 $0x8;
	v11 =	vadd.s32 s25, v0;
	[tilespmem:s17+$0xFFFFFFF0] =	vst v14;
	v1 =	vld.idx.msk [tilespmem:v1+s2+$0x0], $0xffff  }
.LBB2_2:
0x44: {  	p1 =	sne.s32 s9, $0x31;
	[tilespmem:s21+$0xFFFFFFE0] =	vst v5;
	v12 =	vld.idx.msk [tilespmem:v2+s2+$0x0], $0xffff;
	s29 =	sadd.s32 $0x12C0, s16;
	v13 =	vadd.s32 s28, v0;
	s30 =	smov.u32 s19  }
0x45: {  	s0 =	sadd.s32 $0x80, s0;
	s19 =	smov.u32 s20;
	[tilespmem:s24+$0xFFFFFFD0] =	vst v6;
	v14 =	vld.idx.msk [tilespmem:v7+s2+$0x0], $0xffff;
	s28 =	sadd.s32 $0xFA0, s30;
	v15 =	vadd.s32 s29, v0  }
0x46: {  	s20 =	smov.u32 s22;
	s22 =	smov.u32 s26;
	s29 =	sadd.s32 $0xC80, s19;
	[tilespmem:s0+$0xFFFFFFC0] =	vst v8;
	v5 =	vld.idx.msk [tilespmem:v9+s2+$0x0], $0xffff;
	v16 =	vadd.s32 s28, v0  }
.Ltmp0:
0x47: {  	s26 =	sadd.s32 $0x960, s20;
	v2 =	vadd.s32 s29, v0;
	v6 =	vld.idx.msk [tilespmem:v10+s2+$0x0], $0xffff;
	[tilespmem:s23+$0x30] =	vst v3;
	s23 =	smov.u32 s18;
	(pc) =	sbr.rel @p1 .LBB2_2-.Ltmp0, $4  }
0x48: {  	s28 =	sadd.s32 $0x640, s22;
	v7 =	vadd.s32 s26, v0;
	s18 =	smov.u32 s15;
	s15 =	smov.u32 s17;
	v8 =	vld.idx.msk [tilespmem:v11+s2+$0x0], $0xffff;
	[tilespmem:s23+$0x20] =	vst v4  }
0x49: {  	s26 =	sadd.s32 $0x320, s25;
	v9 =	vadd.s32 s28, v0;
	s17 =	smov.u32 s21;
	s21 =	smov.u32 s24;
	[tilespmem:s18+$0x10] =	vst v1;
	v3 =	vld.idx.msk [tilespmem:v13+s2+$0x0], $0xffff  }
0x4a: {  	v10 =	vadd.s32 s26, v0;
	s24 =	smov.u32 s0;
	s26 =	smov.u32 s25;
	s25 =	smov.u32 s9;
	[tilespmem:s15+$0x0] =	vst v12;
	v4 =	vld.idx.msk [tilespmem:v15+s2+$0x0], $0xffff  }
0x4b: {  	s9 =	sadd.s32 $0x1, s9;
	s28 =	sadd.s32 $0x15E0, s16;
	s16 =	smov.u32 s30;
	v11 =	vadd.s32 s25, v0;
	[tilespmem:s17+$0xFFFFFFF0] =	vst v14;
	v1 =	vld.idx.msk [tilespmem:v16+s2+$0x0], $0xffff  }
0x4c: {  	_ =	sdelay $0x3  }
0x4d: {  	v11 =	vld.idx.msk [tilespmem:v11+s2+$0x0], $0xffff;
	s9 =	sadd.s32 $0x320, s25  }
0x4e: {  	v12 =	vadd.s32 s9, v0;
	_ =	sdelay $0x1  }
0x4f: {  	s0 =	sadd.s32 $0x80, s0  }
0x50: {  	[tilespmem:s0+$0xFFFFFFC0] =	vst v8;
	s9 =	sadd.s32 $0x80, s0  }
0x51: {  	s29 =	sadd.s32 $0x640, s26;
	v8 =	vld.idx.msk [tilespmem:v10+s2+$0x0], $0xffff;
	[tilespmem:s9+$0xFFFFFFC0] =	vst v11  }
0x52: {  	v10 =	vadd.s32 s29, v0;
	s29 =	sadd.s32 $0x640, s25;
	v11 =	vld.idx.msk [tilespmem:v12+s2+$0x0], $0xffff  }
0x53: {  	v12 =	vadd.s32 s29, v0;
	_ =	sdelay $0x1  }
0x54: {  	[tilespmem:s24+$0xFFFFFFD0] =	vst v6  }
0x55: {  	v6 =	vld.idx.msk [tilespmem:v9+s2+$0x0], $0xffff;
	s29 =	sadd.s32 $0x960, s22;
	[tilespmem:s0+$0xFFFFFFD0] =	vst v8  }
0x56: {  	v8 =	vadd.s32 s29, v0;
	s29 =	sadd.s32 $0x960, s26;
	v9 =	vld.idx.msk [tilespmem:v10+s2+$0x0], $0xffff;
	[tilespmem:s9+$0xFFFFFFD0] =	vst v11  }
0x57: {  	v10 =	vadd.s32 s29, v0;
	s29 =	sadd.s32 $0x960, s25;
	v11 =	vld.idx.msk [tilespmem:v12+s2+$0x0], $0xffff  }
0x58: {  	[tilespmem:s21+$0xFFFFFFE0] =	vst v5;
	v12 =	vadd.s32 s29, v0  }
0x59: {  	[tilespmem:s23+$0x30] =	vst v3  }
0x5a: {  	v5 =	vld.idx.msk [tilespmem:v7+s2+$0x0], $0xffff;
	[tilespmem:s24+$0xFFFFFFE0] =	vst v6;
	s29 =	sadd.s32 $0xC80, s20  }
0x5b: {  	v7 =	vld.idx.msk [tilespmem:v8+s2+$0x0], $0xffff;
	v6 =	vadd.s32 s29, v0;
	s29 =	sadd.s32 $0xC80, s22;
	[tilespmem:s0+$0xFFFFFFE0] =	vst v9  }
0x5c: {  	v8 =	vadd.s32 s29, v0;
	v9 =	vld.idx.msk [tilespmem:v10+s2+$0x0], $0xffff;
	s29 =	sadd.s32 $0xC80, s26;
	[tilespmem:s9+$0xFFFFFFE0] =	vst v11  }
0x5d: {  	s10 =	sadd.s32 $0xC80, s25;
	[tilespmem:s18+$0x20] =	vst v4;
	v3 =	vadd.s32 s29, v0;
	v10 =	vld.idx.msk [tilespmem:v12+s2+$0x0], $0xffff  }
0x5e: {  	v2 =	vld.idx.msk [tilespmem:v2+s2+$0x0], $0xffff;
	v4 =	vadd.s32 s10, v0;
	s10 =	sadd.s32 $0xFA0, s19;
	[tilespmem:s15+$0x10] =	vst v1  }
0x5f: {  	[tilespmem:s21+$0xFFFFFFF0] =	vst v5;
	v5 =	vadd.s32 s10, v0  }
0x60: {  	s10 =	sadd.s32 $0xFA0, s20;
	v11 =	vadd.s32 s28, v0;
	[tilespmem:s24+$0xFFFFFFF0] =	vst v7;
	v6 =	vld.idx.msk [tilespmem:v6+s2+$0x0], $0xffff  }
0x61: {  	v7 =	vadd.s32 s10, v0;
	s10 =	sadd.s32 $0xFA0, s22;
	v8 =	vld.idx.msk [tilespmem:v8+s2+$0x0], $0xffff;
	[tilespmem:s0+$0xFFFFFFF0] =	vst v9  }
0x62: {  	v9 =	vadd.s32 s10, v0;
	s10 =	sadd.s32 $0xFA0, s26;
	v3 =	vld.idx.msk [tilespmem:v3+s2+$0x0], $0xffff;
	[tilespmem:s9+$0xFFFFFFF0] =	vst v10  }
0x63: {  	[tilespmem:s17+$0x0] =	vst v2;
	v1 =	vadd.s32 s10, v0;
	s10 =	sadd.s32 $0xFA0, s25;
	v4 =	vld.idx.msk [tilespmem:v4+s2+$0x0], $0xffff  }
0x64: {  	v5 =	vld.idx.msk [tilespmem:v5+s2+$0x0], $0xffff;
	v2 =	vadd.s32 s10, v0;
	s10 =	sadd.s32 $0x12C0, s19  }
0x65: {  	s28 =	sadd.s32 $0x12C0, s16;
	v10 =	vld.idx.msk [tilespmem:v11+s2+$0x0], $0xffff;
	[tilespmem:s21+$0x0] =	vst v6;
	v6 =	vadd.s32 s10, v0  }
0x66: {  	v11 =	vadd.s32 s28, v0;
	s10 =	sadd.s32 $0x12C0, s20;
	v7 =	vld.idx.msk [tilespmem:v7+s2+$0x0], $0xffff;
	[tilespmem:s24+$0x0] =	vst v8  }
0x67: {  	v8 =	vadd.s32 s10, v0;
	s10 =	sadd.s32 $0x12C0, s22;
	v9 =	vld.idx.msk [tilespmem:v9+s2+$0x0], $0xffff;
	[tilespmem:s0+$0x0] =	vst v3  }
0x68: {  	v3 =	vadd.s32 s10, v0;
	s10 =	sadd.s32 $0x12C0, s26;
	v1 =	vld.idx.msk [tilespmem:v1+s2+$0x0], $0xffff;
	[tilespmem:s9+$0x0] =	vst v4  }
0x69: {  	s23 =	sadd.s32 $0x12C0, s25;
	[tilespmem:s17+$0x10] =	vst v5;
	v4 =	vadd.s32 s10, v0;
	v2 =	vld.idx.msk [tilespmem:v2+s2+$0x0], $0xffff  }
0x6a: {  	v5 =	vadd.s32 s23, v0;
	s19 =	sadd.s32 $0x15E0, s19;
	[tilespmem:s18+$0x30] =	vst v10;
	v6 =	vld.idx.msk [tilespmem:v6+s2+$0x0], $0xffff  }
0x6b: {  	v10 =	vld.idx.msk [tilespmem:v11+s2+$0x0], $0xffff;
	s10 =	sadd.s32 $0x15E0, s16;
	[tilespmem:s21+$0x10] =	vst v7;
	v7 =	vadd.s32 s19, v0  }
0x6c: {  	s23 =	sadd.s32 $0x15E0, s20;
	v11 =	vadd.s32 s10, v0;
	v8 =	vld.idx.msk [tilespmem:v8+s2+$0x0], $0xffff;
	[tilespmem:s24+$0x10] =	vst v9  }
0x6d: {  	v9 =	vadd.s32 s23, v0;
	s10 =	sadd.s32 $0x15E0, s22;
	v3 =	vld.idx.msk [tilespmem:v3+s2+$0x0], $0xffff;
	[tilespmem:s0+$0x10] =	vst v1  }
0x6e: {  	s18 =	sadd.s32 $0x15E0, s26;
	v1 =	vadd.s32 s10, v0;
	v4 =	vld.idx.msk [tilespmem:v4+s2+$0x0], $0xffff;
	[tilespmem:s9+$0x10] =	vst v2  }
0x6f: {  	s19 =	sadd.s32 $0x15E0, s25;
	[tilespmem:s17+$0x20] =	vst v6;
	v2 =	vadd.s32 s18, v0;
	v5 =	vld.idx.msk [tilespmem:v5+s2+$0x0], $0xffff  }
0x70: {  	[tilespmem:s15+$0x20] =	vst v10;
	v6 =	vadd.s32 s19, v0;
	v7 =	vld.idx.msk [tilespmem:v7+s2+$0x0], $0xffff  }
0x71: {  	v10 =	vld.idx.msk [tilespmem:v11+s2+$0x0], $0xffff;
	[tilespmem:s21+$0x20] =	vst v8  }
0x72: {  	v8 =	vld.idx.msk [tilespmem:v9+s2+$0x0], $0xffff;
	[tilespmem:s24+$0x20] =	vst v3  }
0x73: {  	v1 =	vld.idx.msk [tilespmem:v1+s2+$0x0], $0xffff;
	[tilespmem:s0+$0x20] =	vst v4  }
0x74: {  	v2 =	vld.idx.msk [tilespmem:v2+s2+$0x0], $0xffff;
	[tilespmem:s9+$0x20] =	vst v5  }
0x75: {  	[tilespmem:s17+$0x30] =	vst v7;
	v3 =	vld.idx.msk [tilespmem:v6+s2+$0x0], $0xffff  }
0x76: {  	[tilespmem:s15+$0x30] =	vst v10  }
0x77: {  	[tilespmem:s21+$0x30] =	vst v8  }
0x78: {  	[tilespmem:s24+$0x30] =	vst v1  }
0x79: {  	[tilespmem:s0+$0x30] =	vst v2  }
0x7a: {  	[tilespmem:s9+$0x30] =	vst v3  }
0x7b: {  	_ =	strace $0x90000049  }
0x7c: {  	_ =	strace $0x8000004A  }
0x7d: {  	[bflag:$0x0] =	sbarrier.arrive $0xFFFF  }
0x7e: {  	_ =	strace $0x9000004A  }
0x7f: {  	s20 =	simm.s32 $0x1900;
	s21 =	simm.s32 $0x3200;
	_ =	strace $0x8000004B  }
0x80: {  	[tilespmem:s21], [sflag:$0x3] =	stream.indirect.gather [spmem:s1], $0x1, s20, s20, $0x2000b8;
	[tilespmem:$0x7C70] =	vst v63  }
0x81: {  	_ =	swait.ge [sflag:s11], $0x1900  }
0x82: {  	[sflag:s11] =	ssyncset.done $0x0  }
0x83: {  	[sflag:s11] =	ssyncadd.s32 $0xFFFFE700  }
0x84: {  	_ =	strace $0x9000004B  }
0x85: {  	s28 =	simm.s32 $0x3240;
	_ =	strace $0x8000004C  }
0x86: {  	v1 =	vld [tilespmem:s28+$0xFFFFFFC0];
	_ =	sdelay $0x4  }
0x87: {  	v1 =	vsub.f32 $0.0e+00, v1;
	_ =	sdelay $0x1  }
0x88: {  	v1 =	vmul.f32 $1.442695020e+00, v1;
	_ =	sdelay $0x1  }
0x89: {  	(erf) = vpow2.f32 v1;
	_ =	sdelay $0x8  }
0x8a: {  	v1 =	vpop (erf)  }
0x8b: {  	v1 =	vadd.f32 $1.000000000e+00, v1;
	_ =	sdelay $0x1  }
0x8c: {  	(erf) = vrcp.f32 v1;
	_ =	sdelay $0x5  }
0x8d: {  	s22 =	simm.s32 $0x0  }
0x8e: {  	s29 =	simm.s32 $0x32C0;
	v2 =	vadd.s32 s22, v0  }
0x8f: {  	v4 =	vld [tilespmem:s29+$0xFFFFFFC0]  }
0x90: {  	v1 =	vimm.f32 $1.000000000e+00;
	v3 =	vpop (erf)  }
0x91: {  	v3 =	vmul.f32 v3, v1;
	_ =	sdelay $0x1  }
0x92: {  	[tilespmem:v2+s12+$0x0] =	vst.idx.msk $0xffff, v3  }
0x93: {  	v4 =	vsub.f32 $0.0e+00, v4;
	v2 =	vld [tilespmem:s28+$0xFFFFFFD0];
	_ =	sdelay $0x1  }
0x94: {  	v4 =	vmul.f32 $1.442695020e+00, v4;
	_ =	sdelay $0x1  }
0x95: {  	(erf) = vpow2.f32 v4  }
0x96: {  	v2 =	vsub.f32 $0.0e+00, v2;
	_ =	sdelay $0x1  }
0x97: {  	v2 =	vmul.f32 $1.442695020e+00, v2;
	_ =	sdelay $0x1  }
0x98: {  	(erf) = vpow2.f32 v2;
	_ =	sdelay $0x3  }
0x99: {  	v2 =	vpop (erf)  }
0x9a: {  	v2 =	vadd.f32 $1.000000000e+00, v2;
	_ =	sdelay $0x1  }
0x9b: {  	(erf) = vrcp.f32 v2;
	_ =	sdelay $0x1  }
0x9c: {  	v2 =	vpop (erf)  }
0x9d: {  	v2 =	vadd.f32 $1.000000000e+00, v2;
	_ =	sdelay $0x1  }
0x9e: {  	(erf) = vrcp.f32 v2  }
0x9f: {  	s15 =	simm.s32 $0x1  }
0xa0: {  	v2 =	vadd.s32 s15, v0  }
0xa1: {  	v3 =	vsub.f32 v1, v3  }
0xa2: {  	v4 =	vpop (erf)  }
0xa3: {  	s25 =	simm.s32 $0x3340;
	v4 =	vmul.f32 v4, v3  }
0xa4: {  	s23 =	simm.s32 $0x320;
	v5 =	vld [tilespmem:s25+$0xFFFFFFC0]  }
0xa5: {  	v6 =	vadd.s32 s23, v0;
	[tilespmem:v2+s12+$0x0] =	vst.idx.msk $0xffff, v4  }
0xa6: {  	v7 =	vld [tilespmem:s29+$0xFFFFFFD0]  }
0xa7: {  	v2 =	vpop (erf)  }
0xa8: {  	v2 =	vmul.f32 v2, v1  }
0xa9: {  	v5 =	vsub.f32 $0.0e+00, v5  }
0xaa: {  	[tilespmem:v6+s12+$0x0] =	vst.idx.msk $0xffff, v2  }
0xab: {  	v5 =	vmul.f32 $1.442695020e+00, v5;
	v7 =	vsub.f32 $0.0e+00, v7;
	v6 =	vld [tilespmem:s28+$0xFFFFFFE0];
	_ =	sdelay $0x1  }
0xac: {  	(erf) = vpow2.f32 v5;
	v5 =	vmul.f32 $1.442695020e+00, v7;
	_ =	sdelay $0x1  }
0xad: {  	(erf) = vpow2.f32 v5  }
0xae: {  	v6 =	vsub.f32 $0.0e+00, v6;
	_ =	sdelay $0x1  }
0xaf: {  	v5 =	vmul.f32 $1.442695020e+00, v6;
	_ =	sdelay $0x1  }
0xb0: {  	(erf) = vpow2.f32 v5;
	_ =	sdelay $0x1  }
0xb1: {  	v5 =	vpop (erf)  }
0xb2: {  	v5 =	vadd.f32 $1.000000000e+00, v5  }
0xb3: {  	v6 =	vpop (erf)  }
0xb4: {  	(erf) = vrcp.f32 v5;
	v5 =	vadd.f32 $1.000000000e+00, v6;
	_ =	sdelay $0x2  }
0xb5: {  	(erf) = vrcp.f32 v5  }
0xb6: {  	v5 =	vpop (erf)  }
0xb7: {  	v5 =	vadd.f32 $1.000000000e+00, v5;
	_ =	sdelay $0x1  }
0xb8: {  	s16 =	simm.s32 $0x2;
	(erf) = vrcp.f32 v5  }
0xb9: {  	v5 =	vadd.s32 s16, v0  }
0xba: {  	s23 =	simm.s32 $0x33C0;
	s24 =	simm.s32 $0x321;
	v3 =	vsub.f32 v3, v4  }
0xbb: {  	v4 =	vld [tilespmem:s23+$0xFFFFFFC0];
	v7 =	vadd.s32 s24, v0;
	v6 =	vpop (erf)  }
0xbc: {  	v2 =	vsub.f32 v1, v2;
	v6 =	vmul.f32 v6, v3  }
0xbd: {  	v8 =	vpop (erf)  }
0xbe: {  	s26 =	simm.s32 $0x640;
	[tilespmem:v5+s12+$0x0] =	vst.idx.msk $0xffff, v6;
	v5 =	vmul.f32 v8, v2  }
0xbf: {  	v9 =	vadd.s32 s26, v0;
	v8 =	vld [tilespmem:s25+$0xFFFFFFD0]  }
0xc0: {  	v4 =	vsub.f32 $0.0e+00, v4;
	[tilespmem:v7+s12+$0x0] =	vst.idx.msk $0xffff, v5  }
0xc1: {  	v10 =	vld [tilespmem:s29+$0xFFFFFFE0];
	v7 =	vpop (erf)  }
0xc2: {  	v4 =	vmul.f32 $1.442695020e+00, v4;
	v7 =	vmul.f32 v7, v1;
	_ =	sdelay $0x1  }
0xc3: {  	(erf) = vpow2.f32 v4;
	v4 =	vsub.f32 $0.0e+00, v8;
	[tilespmem:v9+s12+$0x0] =	vst.idx.msk $0xffff, v7  }
0xc4: {  	v8 =	vld [tilespmem:s28+$0xFFFFFFF0]  }
0xc5: {  	v4 =	vmul.f32 $1.442695020e+00, v4;
	v9 =	vsub.f32 $0.0e+00, v10;
	_ =	sdelay $0x1  }
0xc6: {  	(erf) = vpow2.f32 v4;
	v4 =	vmul.f32 $1.442695020e+00, v9;
	_ =	sdelay $0x1  }
0xc7: {  	(erf) = vpow2.f32 v4;
	v8 =	vsub.f32 $0.0e+00, v8;
	_ =	sdelay $0x2  }
0xc8: {  	v4 =	vmul.f32 $1.442695020e+00, v8  }
0xc9: {  	v8 =	vpop (erf)  }
0xca: {  	(erf) = vpow2.f32 v4;
	v8 =	vadd.f32 $1.000000000e+00, v8;
	_ =	sdelay $0x1  }
0xcb: {  	v4 =	vpop (erf);
	(erf) = vrcp.f32 v8  }
0xcc: {  	v4 =	vadd.f32 $1.000000000e+00, v4  }
0xcd: {  	v8 =	vpop (erf)  }
0xce: {  	(erf) = vrcp.f32 v4;
	v4 =	vadd.f32 $1.000000000e+00, v8;
	_ =	sdelay $0x1  }
0xcf: {  	(erf) = vrcp.f32 v4  }
0xd0: {  	s17 =	simm.s32 $0x3  }
0xd1: {  	v8 =	vadd.s32 s17, v0;
	v4 =	vpop (erf)  }
0xd2: {  	s20 =	simm.s32 $0x3440;
	v3 =	vsub.f32 v3, v6;
	v4 =	vadd.f32 $1.000000000e+00, v4  }
0xd3: {  	s9 =	simm.s32 $0x322;
	v9 =	vld [tilespmem:s20+$0xFFFFFFC0];
	v6 =	vpop (erf)  }
0xd4: {  	v6 =	vmul.f32 v6, v3;
	(erf) = vrcp.f32 v4;
	v4 =	vadd.s32 s9, v0  }
0xd5: {  	s10 =	simm.s32 $0x641;
	v2 =	vsub.f32 v2, v5  }
0xd6: {  	v10 =	vadd.s32 s10, v0;
	[tilespmem:v8+s12+$0x0] =	vst.idx.msk $0xffff, v6;
	v8 =	vpop (erf)  }
0xd7: {  	v7 =	vsub.f32 v1, v7;
	v8 =	vmul.f32 v8, v2  }
0xd8: {  	v9 =	vsub.f32 $0.0e+00, v9;
	v5 =	vld [tilespmem:s23+$0xFFFFFFD0];
	v11 =	vpop (erf)  }
0xd9: {  	[tilespmem:v4+s12+$0x0] =	vst.idx.msk $0xffff, v8;
	v4 =	vmul.f32 v11, v7  }
0xda: {  	v9 =	vmul.f32 $1.442695020e+00, v9  }
0xdb: {  	v11 =	vld [tilespmem:s25+$0xFFFFFFE0];
	[tilespmem:v10+s12+$0x0] =	vst.idx.msk $0xffff, v4  }
0xdc: {  	s18 =	simm.s32 $0x960;
	(erf) = vpow2.f32 v9;
	v10 =	vld [tilespmem:s29+$0xFFFFFFF0]  }
0xdd: {  	v12 =	vadd.s32 s18, v0;
	v5 =	vsub.f32 $0.0e+00, v5;
	_ =	sdelay $0x1  }
0xde: {  	v9 =	vpop (erf);
	v5 =	vmul.f32 $1.442695020e+00, v5  }
0xdf: {  	v9 =	vmul.f32 v9, v1  }
0xe0: {  	(erf) = vpow2.f32 v5;
	v5 =	vsub.f32 $0.0e+00, v11;
	v10 =	vsub.f32 $0.0e+00, v10  }
0xe1: {  	[tilespmem:v12+s12+$0x0] =	vst.idx.msk $0xffff, v9  }
0xe2: {  	v11 =	vld [tilespmem:s28+$0x0];
	v5 =	vmul.f32 $1.442695020e+00, v5;
	_ =	sdelay $0x1  }
0xe3: {  	(erf) = vpow2.f32 v5;
	v5 =	vmul.f32 $1.442695020e+00, v10;
	v10 =	vpop (erf)  }
0xe4: {  	v10 =	vadd.f32 $1.000000000e+00, v10;
	_ =	sdelay $0x1  }
0xe5: {  	v11 =	vsub.f32 $0.0e+00, v11  }
0xe6: {  	(erf) = vpow2.f32 v5  }
0xe7: {  	(erf) = vrcp.f32 v10;
	v5 =	vmul.f32 $1.442695020e+00, v11;
	v10 =	vpop (erf)  }
0xe8: {  	v10 =	vadd.f32 $1.000000000e+00, v10  }
0xe9: {  	(erf) = vpow2.f32 v5  }
0xea: {  	(erf) = vrcp.f32 v10  }
0xeb: {  	v5 =	vpop (erf)  }
0xec: {  	v5 =	vadd.f32 $1.000000000e+00, v5  }
0xed: {  	s18 =	simm.s32 $0x4  }
0xee: {  	v10 =	vadd.s32 s18, v0;
	(erf) = vrcp.f32 v5  }
0xef: {  	v3 =	vsub.f32 v3, v6;
	v6 =	vpop (erf)  }
0xf0: {  	s19 =	simm.s32 $0x323;
	v5 =	vadd.f32 $1.000000000e+00, v6;
	v6 =	vpop (erf)  }
0xf1: {  	s21 =	simm.s32 $0x34C0;
	v11 =	vadd.s32 s19, v0;
	v6 =	vmul.f32 v6, v3  }
0xf2: {  	v2 =	vsub.f32 v2, v8;
	(erf) = vrcp.f32 v5;
	v5 =	vld [tilespmem:s21+$0xFFFFFFC0];
	v8 =	vpop (erf)  }
0xf3: {  	[tilespmem:v10+s12+$0x0] =	vst.idx.msk $0xffff, v6;
	v8 =	vadd.f32 $1.000000000e+00, v8;
	v10 =	vpop (erf)  }
0xf4: {  	s22 =	simm.s32 $0x642;
	v12 =	vld [tilespmem:s20+$0xFFFFFFD0];
	v10 =	vmul.f32 v10, v2  }
0xf5: {  	(erf) = vrcp.f32 v8;
	v8 =	vadd.s32 s22, v0  }
0xf6: {  	v4 =	vsub.f32 v7, v4;
	[tilespmem:v11+s12+$0x0] =	vst.idx.msk $0xffff, v10  }
0xf7: {  	v5 =	vsub.f32 $0.0e+00, v5;
	v11 =	vpop (erf);
	v7 =	vld [tilespmem:s23+$0xFFFFFFE0]  }
0xf8: {  	v11 =	vmul.f32 v11, v4  }
0xf9: {  	s24 =	simm.s32 $0x961;
	v5 =	vmul.f32 $1.442695020e+00, v5;
	v12 =	vsub.f32 $0.0e+00, v12  }
0xfa: {  	v13 =	vadd.s32 s24, v0;
	[tilespmem:v8+s12+$0x0] =	vst.idx.msk $0xffff, v11  }
0xfb: {  	v9 =	vsub.f32 v1, v9;
	(erf) = vpow2.f32 v5;
	v5 =	vmul.f32 $1.442695020e+00, v12;
	v12 =	vld [tilespmem:s25+$0xFFFFFFF0]  }
0xfc: {  	v14 =	vpop (erf);
	v7 =	vsub.f32 $0.0e+00, v7  }
0xfd: {  	v8 =	vmul.f32 v14, v9;
	(erf) = vpow2.f32 v5  }
0xfe: {  	s26 =	simm.s32 $0xC80;
	v7 =	vmul.f32 $1.442695020e+00, v7  }
0xff: {  	v14 =	vadd.s32 s26, v0;
	[tilespmem:v13+s12+$0x0] =	vst.idx.msk $0xffff, v8  }
0x100: {  	v5 =	vld [tilespmem:s29+$0x0];
	(erf) = vpow2.f32 v7;
	v7 =	vsub.f32 $0.0e+00, v12  }
0x101: {  	v13 =	vpop (erf)  }
0x102: {  	v13 =	vmul.f32 v13, v1;
	v7 =	vmul.f32 $1.442695020e+00, v7;
	_ =	sdelay $0x1  }
0x103: {  	[tilespmem:v14+s12+$0x0] =	vst.idx.msk $0xffff, v13;
	v14 =	vpop (erf)  }
0x104: {  	v12 =	vld [tilespmem:s28+$0x10];
	v5 =	vsub.f32 $0.0e+00, v5;
	v14 =	vadd.f32 $1.000000000e+00, v14  }
0x105: {  	(erf) = vpow2.f32 v7;
	v7 =	vpop (erf)  }
0x106: {  	v5 =	vmul.f32 $1.442695020e+00, v5;
	(erf) = vrcp.f32 v14;
	v7 =	vadd.f32 $1.000000000e+00, v7;
	_ =	sdelay $0x1  }
0x107: {  	(erf) = vpow2.f32 v5  }
0x108: {  	v12 =	vsub.f32 $0.0e+00, v12;
	(erf) = vrcp.f32 v7  }
0x109: {  	v7 =	vpop (erf)  }
0x10a: {  	v5 =	vmul.f32 $1.442695020e+00, v12;
	v7 =	vadd.f32 $1.000000000e+00, v7  }
0x10b: {  	s19 =	simm.s32 $0x5  }
0x10c: {  	(erf) = vpow2.f32 v5;
	v5 =	vadd.s32 s19, v0  }
0x10d: {  	v3 =	vsub.f32 v3, v6;
	v6 =	vpop (erf);
	(erf) = vrcp.f32 v7  }
0x10e: {  	v7 =	vpop (erf)  }
0x10f: {  	v6 =	vadd.f32 $1.000000000e+00, v6;
	v7 =	vmul.f32 v7, v3  }
0x110: {  	s24 =	simm.s32 $0x3540;
	s9 =	simm.s32 $0x324;
	v2 =	vsub.f32 v2, v10;
	v14 =	vpop (erf)  }
0x111: {  	v10 =	vld [tilespmem:s24+$0xFFFFFFC0];
	v12 =	vadd.s32 s9, v0;
	(erf) = vrcp.f32 v6;
	v6 =	vadd.f32 $1.000000000e+00, v14;
	v14 =	vpop (erf);
	[tilespmem:v5+s12+$0x0] =	vst.idx.msk $0xffff, v7  }
0x112: {  	v5 =	vmul.f32 v14, v2;
	v14 =	vld [tilespmem:s21+$0xFFFFFFD0];
	_ =	sdelay $0x1  }
0x113: {  	s10 =	simm.s32 $0x643;
	(erf) = vrcp.f32 v6  }
0x114: {  	v15 =	vadd.s32 s10, v0;
	v4 =	vsub.f32 v4, v11;
	v6 =	vpop (erf)  }
0x115: {  	v10 =	vsub.f32 $0.0e+00, v10;
	[tilespmem:v12+s12+$0x0] =	vst.idx.msk $0xffff, v5;
	v6 =	vadd.f32 $1.000000000e+00, v6;
	v11 =	vpop (erf)  }
0x116: {  	v12 =	vld [tilespmem:s20+$0xFFFFFFE0];
	v11 =	vmul.f32 v11, v4;
	v14 =	vsub.f32 $0.0e+00, v14  }
0x117: {  	s22 =	simm.s32 $0x962;
	(erf) = vrcp.f32 v6;
	v6 =	vmul.f32 $1.442695020e+00, v10  }
0x118: {  	v10 =	vadd.s32 s22, v0;
	v14 =	vmul.f32 $1.442695020e+00, v14  }
0x119: {  	s26 =	simm.s32 $0xC81;
	v8 =	vsub.f32 v9, v8;
	[tilespmem:v15+s12+$0x0] =	vst.idx.msk $0xffff, v11;
	(erf) = vpow2.f32 v6  }
0x11a: {  	v9 =	vpop (erf);
	v15 =	vadd.s32 s26, v0;
	v6 =	vld [tilespmem:s23+$0xFFFFFFF0]  }
0x11b: {  	v13 =	vsub.f32 v1, v13;
	v9 =	vmul.f32 v9, v8;
	v12 =	vsub.f32 $0.0e+00, v12  }
0x11c: {  	(erf) = vpow2.f32 v14;
	v14 =	vpop (erf)  }
0x11d: {  	v12 =	vmul.f32 $1.442695020e+00, v12;
	[tilespmem:v10+s12+$0x0] =	vst.idx.msk $0xffff, v9;
	v10 =	vmul.f32 v14, v13  }
0x11e: {  	s9 =	simm.s32 $0xFA0;
	v14 =	vld [tilespmem:s25+$0x0]  }
0x11f: {  	v16 =	vadd.s32 s9, v0;
	v6 =	vsub.f32 $0.0e+00, v6;
	[tilespmem:v15+s12+$0x0] =	vst.idx.msk $0xffff, v10  }
0x120: {  	(erf) = vpow2.f32 v12;
	v15 =	vld [tilespmem:s29+$0x10]  }
0x121: {  	v12 =	vpop (erf);
	v6 =	vmul.f32 $1.442695020e+00, v6  }
0x122: {  	v12 =	vmul.f32 v12, v1;
	v17 =	vpop (erf)  }
0x123: {  	(erf) = vpow2.f32 v6;
	v6 =	vsub.f32 $0.0e+00, v14;
	v14 =	vadd.f32 $1.000000000e+00, v17  }
0x124: {  	[tilespmem:v16+s12+$0x0] =	vst.idx.msk $0xffff, v12  }
0x125: {  	v16 =	vld [tilespmem:s28+$0x20];
	v15 =	vsub.f32 $0.0e+00, v15;
	_ =	sdelay $0x1  }
0x126: {  	v6 =	vmul.f32 $1.442695020e+00, v6;
	(erf) = vrcp.f32 v14;
	v14 =	vpop (erf)  }
0x127: {  	v14 =	vadd.f32 $1.000000000e+00, v14  }
0x128: {  	(erf) = vpow2.f32 v6;
	v6 =	vmul.f32 $1.442695020e+00, v15;
	v15 =	vpop (erf)  }
0x129: {  	(erf) = vrcp.f32 v14;
	v14 =	vadd.f32 $1.000000000e+00, v15;
	v15 =	vsub.f32 $0.0e+00, v16  }
0x12a: {  	(erf) = vpow2.f32 v6  }
0x12b: {  	(erf) = vrcp.f32 v14;
	v6 =	vmul.f32 $1.442695020e+00, v15  }
0x12c: {  	s22 =	simm.s32 $0x6  }
0x12d: {  	v15 =	vadd.s32 s22, v0;
	v14 =	vpop (erf)  }
0x12e: {  	v3 =	vsub.f32 v3, v7;
	s26 =	simm.s32 $0x35C0;
	(erf) = vpow2.f32 v6;
	v14 =	vadd.f32 $1.000000000e+00, v14  }
0x12f: {  	s10 =	simm.s32 $0x325;
	v7 =	vld [tilespmem:s26+$0xFFFFFFC0];
	v6 =	vpop (erf)  }
0x130: {  	(erf) = vrcp.f32 v14;
	v6 =	vmul.f32 v6, v3;
	v14 =	vadd.s32 s10, v0  }
0x131: {  	v2 =	vsub.f32 v2, v5;
	v5 =	vpop (erf)  }
0x132: {  	s9 =	simm.s32 $0x644;
	v5 =	vadd.f32 $1.000000000e+00, v5;
	[tilespmem:v15+s12+$0x0] =	vst.idx.msk $0xffff, v6;
	v15 =	vpop (erf)  }
0x133: {  	v41 =	vadd.s32 s9, v0;
	v4 =	vsub.f32 v4, v11;
	v15 =	vmul.f32 v15, v2;
	v42 =	vpop (erf)  }
0x134: {  	v7 =	vsub.f32 $0.0e+00, v7;
	v11 =	vld [tilespmem:s24+$0xFFFFFFD0];
	(erf) = vrcp.f32 v5;
	v5 =	vadd.f32 $1.000000000e+00, v42;
	v43 =	vpop (erf)  }
0x135: {  	[tilespmem:v14+s12+$0x0] =	vst.idx.msk $0xffff, v15;
	v14 =	vmul.f32 v43, v4  }
0x136: {  	s10 =	simm.s32 $0x963;
	v44 =	vld [tilespmem:s21+$0xFFFFFFE0];
	(erf) = vrcp.f32 v5;
	v5 =	vmul.f32 $1.442695020e+00, v7  }
0x137: {  	v18 =	vadd.s32 s10, v0;
	v7 =	vsub.f32 v8, v9;
	v8 =	vpop (erf)  }
0x138: {  	[tilespmem:v41+s12+$0x0] =	vst.idx.msk $0xffff, v14;
	v8 =	vadd.f32 $1.000000000e+00, v8;
	(erf) = vpow2.f32 v5  }
0x139: {  	v9 =	vsub.f32 $0.0e+00, v11;
	v5 =	vld [tilespmem:s20+$0xFFFFFFF0];
	v11 =	vpop (erf)  }
0x13a: {  	s9 =	simm.s32 $0xC82;
	(erf) = vrcp.f32 v8;
	v11 =	vmul.f32 v11, v7  }
0x13b: {  	v8 =	vadd.s32 s9, v0;
	v9 =	vmul.f32 $1.442695020e+00, v9;
	v45 =	vsub.f32 $0.0e+00, v44  }
0x13c: {  	v10 =	vsub.f32 v13, v10;
	[tilespmem:v18+s12+$0x0] =	vst.idx.msk $0xffff, v11  }
0x13d: {  	s10 =	simm.s32 $0xFA1;
	(erf) = vpow2.f32 v9;
	v13 =	vpop (erf);
	v9 =	vld [tilespmem:s23+$0x0];
	v16 =	vmul.f32 $1.442695020e+00, v45  }
0x13e: {  	v46 =	vadd.s32 s10, v0;
	v5 =	vsub.f32 $0.0e+00, v5;
	v13 =	vmul.f32 v13, v10  }
0x13f: {  	v12 =	vsub.f32 v1, v12;
	(erf) = vpow2.f32 v16  }
0x140: {  	s9 =	simm.s32 $0x12C0;
	v47 =	vpop (erf);
	v5 =	vmul.f32 $1.442695020e+00, v5;
	[tilespmem:v8+s12+$0x0] =	vst.idx.msk $0xffff, v13  }
0x141: {  	v48 =	vadd.s32 s9, v0;
	v8 =	vmul.f32 v47, v12;
	v49 =	vld [tilespmem:s25+$0x10];
	v19 =	vpop (erf)  }
0x142: {  	(erf) = vpow2.f32 v5;
	v9 =	vsub.f32 $0.0e+00, v9;
	v5 =	vadd.f32 $1.000000000e+00, v19  }
0x143: {  	[tilespmem:v46+s12+$0x0] =	vst.idx.msk $0xffff, v8  }
0x144: {  	v50 =	vpop (erf);
	v17 =	vld [tilespmem:s29+$0x20];
	v9 =	vmul.f32 $1.442695020e+00, v9  }
0x145: {  	v19 =	vmul.f32 v50, v1;
	(erf) = vrcp.f32 v5  }
0x146: {  	(erf) = vpow2.f32 v9;
	v5 =	vpop (erf);
	v9 =	vsub.f32 $0.0e+00, v49  }
0x147: {  	[tilespmem:v48+s12+$0x0] =	vst.idx.msk $0xffff, v19;
	v5 =	vadd.f32 $1.000000000e+00, v5  }
0x148: {  	v16 =	vld [tilespmem:s28+$0x30];
	v9 =	vmul.f32 $1.442695020e+00, v9;
	v51 =	vpop (erf)  }
0x149: {  	v17 =	vsub.f32 $0.0e+00, v17;
	(erf) = vrcp.f32 v5;
	v5 =	vadd.f32 $1.000000000e+00, v51  }
0x14a: {  	(erf) = vpow2.f32 v9  }
0x14b: {  	v9 =	vmul.f32 $1.442695020e+00, v17;
	(erf) = vrcp.f32 v5  }
0x14c: {  	v3 =	vsub.f32 v3, v6;
	s28 =	simm.s32 $0x7;
	v52 =	vpop (erf)  }
0x14d: {  	v53 =	vadd.s32 s28, v0;
	v5 =	vadd.f32 $1.000000000e+00, v52;
	v6 =	vsub.f32 $0.0e+00, v16  }
0x14e: {  	(erf) = vpow2.f32 v9  }
0x14f: {  	s30 =	simm.s32 $0x3640;
	(erf) = vrcp.f32 v5;
	v5 =	vmul.f32 $1.442695020e+00, v6;
	v9 =	vpop (erf)  }
0x150: {  	s10 =	simm.s32 $0x326;
	v6 =	vld [tilespmem:s30+$0xFFFFFFC0];
	v9 =	vmul.f32 v9, v3;
	v54 =	vpop (erf)  }
0x151: {  	s9 =	simm.s32 $0x645;
	(erf) = vpow2.f32 v5;
	v5 =	vadd.s32 s10, v0;
	v16 =	vadd.f32 $1.000000000e+00, v54  }
0x152: {  	v2 =	vsub.f32 v2, v15;
	v15 =	vadd.s32 s9, v0;
	[tilespmem:v53+s12+$0x0] =	vst.idx.msk $0xffff, v9;
	v56 =	vpop (erf)  }
0x153: {  	v4 =	vsub.f32 v4, v14;
	v55 =	vld [tilespmem:s26+$0xFFFFFFD0];
	(erf) = vrcp.f32 v16;
	v14 =	vpop (erf)  }
0x154: {  	v7 =	vsub.f32 v7, v11;
	v11 =	vmul.f32 v56, v2;
	v57 =	vpop (erf)  }
0x155: {  	v6 =	vsub.f32 $0.0e+00, v6;
	v16 =	vmul.f32 v57, v4  }
0x156: {  	v14 =	vadd.f32 $1.000000000e+00, v14;
	[tilespmem:v5+s12+$0x0] =	vst.idx.msk $0xffff, v11  }
0x157: {  	v6 =	vmul.f32 $1.442695020e+00, v6;
	v20 =	vpop (erf);
	[tilespmem:v15+s12+$0x0] =	vst.idx.msk $0xffff, v16;
	v15 =	vld [tilespmem:s24+$0xFFFFFFE0]  }
0x158: {  	s10 =	simm.s32 $0x964;
	(erf) = vrcp.f32 v14;
	v5 =	vadd.f32 $1.000000000e+00, v20;
	v14 =	vsub.f32 $0.0e+00, v55  }
0x159: {  	s9 =	simm.s32 $0xC83;
	v10 =	vsub.f32 v10, v13;
	v58 =	vadd.s32 s10, v0;
	(erf) = vpow2.f32 v6  }
0x15a: {  	v59 =	vpop (erf);
	v60 =	vld [tilespmem:s21+$0xFFFFFFF0];
	(erf) = vrcp.f32 v5;
	v5 =	vadd.s32 s9, v0;
	v6 =	vmul.f32 $1.442695020e+00, v14  }
0x15b: {  	v12 =	vsub.f32 v12, v8;
	v9 =	vsub.f32 v3, v9;
	v17 =	vmul.f32 v59, v7;
	v13 =	vpop (erf)  }
0x15c: {  	(erf) = vpow2.f32 v6;
	v3 =	vpop (erf);
	v6 =	vsub.f32 v4, v16;
	v4 =	vsub.f32 $0.0e+00, v15  }
0x15d: {  	v8 =	vsub.f32 v2, v11;
	v11 =	vadd.f32 $1.000000000e+00, v13;
	v3 =	vmul.f32 v3, v10  }
0x15e: {  	s10 =	simm.s32 $0xFA2;
	[tilespmem:v58+s12+$0x0] =	vst.idx.msk $0xffff, v17;
	v4 =	vmul.f32 $1.442695020e+00, v4  }
0x15f: {  	v2 =	vld [tilespmem:s20+$0x0];
	v13 =	vsub.f32 $0.0e+00, v60;
	[tilespmem:v5+s12+$0x0] =	vst.idx.msk $0xffff, v3;
	v5 =	vadd.s32 s10, v0  }
0x160: {  	(erf) = vrcp.f32 v11  }
0x161: {  	v11 =	vpop (erf);
	v13 =	vmul.f32 $1.442695020e+00, v13;
	(erf) = vpow2.f32 v4  }
0x162: {  	s9 =	simm.s32 $0x12C1;
	v15 =	vld [tilespmem:s23+$0x10];
	v11 =	vmul.f32 v11, v12;
	v4 =	vpop (erf)  }
0x163: {  	v61 =	vadd.s32 s9, v0;
	v10 =	vsub.f32 v10, v3;
	v3 =	vadd.f32 $1.000000000e+00, v4  }
0x164: {  	v14 =	vsub.f32 v1, v19;
	v2 =	vsub.f32 $0.0e+00, v2;
	(erf) = vpow2.f32 v13;
	[tilespmem:v5+s12+$0x0] =	vst.idx.msk $0xffff, v11  }
0x165: {  	v13 =	vpop (erf);
	v4 =	vsub.f32 v12, v11;
	v11 =	vld [tilespmem:s25+$0x20]  }
0x166: {  	v7 =	vsub.f32 v7, v17;
	s10 =	simm.s32 $0x15E0;
	v62 =	vmul.f32 $1.442695020e+00, v2;
	v63 =	vmul.f32 v13, v14  }
0x167: {  	v2 =	vadd.s32 s10, v0;
	v13 =	vsub.f32 $0.0e+00, v15;
	(erf) = vrcp.f32 v3;
	v3 =	vpop (erf)  }
0x168: {  	s31 =	simm.s32 $0x8;
	s0 =	simm.s32 $0x9;
	[tilespmem:v61+s12+$0x0] =	vst.idx.msk $0xffff, v63;
	v5 =	vsub.f32 v14, v63;
	(erf) = vpow2.f32 v62;
	v12 =	vadd.f32 $1.000000000e+00, v3  }
.LBB2_4:
0x169: {  	p1 =	sne.s32 s0, $0x31;
	v3 =	vmul.f32 $1.442695020e+00, v13;
	v13 =	vld [tilespmem:s29+$0x30];
	v14 =	vpop (erf);
	s9 =	smov.u32 s0;
	s0 =	sadd.s32 $0x1, s0  }
0x16a: {  	s29 =	smov.u32 s25;
	s25 =	smov.u32 s23;
	s23 =	smov.u32 s20;
	(erf) = vrcp.f32 v12;
	v12 =	vpop (erf);
	v15 =	vsub.f32 $0.0e+00, v11;
	v14 =	vmul.f32 v14, v1  }
0x16b: {  	s20 =	smov.u32 s21;
	s21 =	smov.u32 s24;
	s24 =	smov.u32 s26;
	v12 =	vadd.f32 $1.000000000e+00, v12;
	(erf) = vpow2.f32 v3  }
0x16c: {  	s26 =	smov.u32 s30;
	v3 =	vmul.f32 $1.442695020e+00, v15;
	[tilespmem:v2+s12+$0x0] =	vst.idx.msk $0xffff, v14;
	v1 =	vsub.f32 v1, v14  }
0x16d: {  	v2 =	vadd.s32 s31, v0;
	(erf) = vrcp.f32 v12;
	v11 =	vpop (erf)  }
0x16e: {  	v11 =	vadd.f32 $1.000000000e+00, v11;
	(erf) = vpow2.f32 v3;
	v3 =	vsub.f32 $0.0e+00, v13;
	_ =	sdelay $0x1  }
0x16f: {  	s30 =	sadd.s32 $0x80, s30;
	s10 =	sadd.s32 $0x320, s28;
	v12 =	vpop (erf);
	(erf) = vrcp.f32 v11;
	v3 =	vmul.f32 $1.442695020e+00, v3  }
0x170: {  	v13 =	vadd.s32 s10, v0;
	v11 =	vld [tilespmem:s30+$0xFFFFFFC0];
	v12 =	vmul.f32 v12, v9;
	v14 =	vpop (erf)  }
0x171: {  	v15 =	vadd.f32 $1.000000000e+00, v14;
	(erf) = vpow2.f32 v3  }
0x172: {  	s10 =	sadd.s32 $0x640, s22;
	[tilespmem:v2+s12+$0x0] =	vst.idx.msk $0xffff, v12;
	v9 =	vsub.f32 v9, v12;
	v2 =	vpop (erf)  }
0x173: {  	v12 =	vadd.s32 s10, v0;
	v3 =	vld [tilespmem:s26+$0xFFFFFFD0];
	v16 =	vmul.f32 v2, v8;
	(erf) = vrcp.f32 v15;
	v14 =	vpop (erf)  }
0x174: {  	v17 =	vadd.f32 $1.000000000e+00, v14  }
0x175: {  	s10 =	sadd.s32 $0x960, s19;
	v11 =	vsub.f32 $0.0e+00, v11;
	[tilespmem:v13+s12+$0x0] =	vst.idx.msk $0xffff, v16;
	v8 =	vsub.f32 v8, v16;
	v2 =	vpop (erf)  }
0x176: {  	v15 =	vadd.s32 s10, v0;
	v13 =	vld [tilespmem:s24+$0xFFFFFFE0];
	v16 =	vmul.f32 v2, v6;
	(erf) = vrcp.f32 v17;
	v14 =	vpop (erf)  }
0x177: {  	v11 =	vmul.f32 $1.442695020e+00, v11;
	v17 =	vadd.f32 $1.000000000e+00, v14  }
0x178: {  	s10 =	sadd.s32 $0xC80, s18;
	v3 =	vsub.f32 $0.0e+00, v3;
	[tilespmem:v12+s12+$0x0] =	vst.idx.msk $0xffff, v16;
	v6 =	vsub.f32 v6, v16;
	v2 =	vpop (erf)  }
0x179: {  	v12 =	vadd.s32 s10, v0;
	(erf) = vpow2.f32 v11;
	v11 =	vld [tilespmem:s21+$0xFFFFFFF0];
	v2 =	vmul.f32 v2, v7  }
0x17a: {  	v16 =	vmul.f32 $1.442695020e+00, v3;
	(erf) = vrcp.f32 v17;
	v14 =	vpop (erf)  }
0x17b: {  	s10 =	sadd.s32 $0xFA0, s17;
	v13 =	vsub.f32 $0.0e+00, v13;
	[tilespmem:v15+s12+$0x0] =	vst.idx.msk $0xffff, v2;
	v14 =	vadd.f32 $1.000000000e+00, v14  }
0x17c: {  	v7 =	vsub.f32 v7, v2;
	v15 =	vadd.s32 s10, v0;
	(erf) = vpow2.f32 v16;
	v2 =	vld [tilespmem:s20+$0x0];
	v3 =	vpop (erf)  }
0x17d: {  	v13 =	vmul.f32 $1.442695020e+00, v13;
	v16 =	vmul.f32 v3, v10  }
0x17e: {  	s10 =	sadd.s32 $0x12C0, s16;
	v11 =	vsub.f32 $0.0e+00, v11;
	(erf) = vrcp.f32 v14  }
0x17f: {  	v14 =	vadd.s32 s10, v0;
	(erf) = vpow2.f32 v13;
	[tilespmem:v12+s12+$0x0] =	vst.idx.msk $0xffff, v16;
	v10 =	vsub.f32 v10, v16;
	v3 =	vpop (erf)  }
0x180: {  	v11 =	vmul.f32 $1.442695020e+00, v11;
	v12 =	vld [tilespmem:s23+$0x10];
	v3 =	vmul.f32 v3, v4  }
0x181: {  	s10 =	sadd.s32 $0x15E0, s15;
	s15 =	smov.u32 s16;
	s16 =	smov.u32 s17;
	v17 =	vsub.f32 $0.0e+00, v2  }
.Ltmp1:
0x182: {  	s17 =	smov.u32 s18;
	s18 =	smov.u32 s19;
	v2 =	vadd.s32 s10, v0;
	v16 =	vpop (erf);
	(erf) = vpow2.f32 v11;
	[tilespmem:v15+s12+$0x0] =	vst.idx.msk $0xffff, v3;
	v4 =	vsub.f32 v4, v3;
	(pc) =	sbr.rel @p1 .LBB2_4-.Ltmp1, $4  }
0x183: {  	s19 =	smov.u32 s22;
	s22 =	smov.u32 s28;
	s28 =	smov.u32 s31;
	v18 =	vadd.f32 $1.000000000e+00, v16;
	v15 =	vmul.f32 $1.442695020e+00, v17;
	v11 =	vld [tilespmem:s25+$0x20];
	v13 =	vpop (erf)  }
0x184: {  	s31 =	smov.u32 s9;
	v16 =	vmul.f32 v13, v5  }
0x185: {  	(erf) = vrcp.f32 v18;
	v3 =	vpop (erf);
	v13 =	vsub.f32 $0.0e+00, v12  }
0x186: {  	v12 =	vadd.f32 $1.000000000e+00, v3;
	(erf) = vpow2.f32 v15;
	[tilespmem:v14+s12+$0x0] =	vst.idx.msk $0xffff, v16;
	v5 =	vsub.f32 v5, v16  }
0x187: {  	_ =	sdelay $0x1  }
0x188: {  	v3 =	vpop (erf)  }
0x189: {  	v13 =	vmul.f32 $1.442695020e+00, v13;
	v14 =	vpop (erf);
	v11 =	vsub.f32 $0.0e+00, v11  }
0x18a: {  	v15 =	vld [tilespmem:s29+$0x30];
	(erf) = vrcp.f32 v12;
	v44 =	vadd.f32 $1.000000000e+00, v14  }
0x18b: {  	v45 =	vadd.s32 s31, v0;
	(erf) = vpow2.f32 v13;
	v11 =	vmul.f32 $1.442695020e+00, v11  }
0x18c: {  	(erf) = vrcp.f32 v44;
	v46 =	vpop (erf)  }
0x18d: {  	v12 =	vadd.f32 $1.000000000e+00, v46;
	(erf) = vpow2.f32 v11;
	v47 =	vpop (erf)  }
0x18e: {  	v9 =	vmul.f32 v47, v9  }
0x18f: {  	v48 =	vsub.f32 $0.0e+00, v15;
	(erf) = vrcp.f32 v12  }
0x190: {  	s0 =	sadd.s32 $0x320, s28;
	[tilespmem:v45+s12+$0x0] =	vst.idx.msk $0xffff, v9  }
0x191: {  	v50 =	vadd.s32 s0, v0;
	v49 =	vmul.f32 $1.442695020e+00, v48;
	v51 =	vld [tilespmem:s30+$0xFFFFFFD0]  }
0x192: {  	s29 =	sadd.s32 $0x640, s22;
	v52 =	vpop (erf)  }
0x193: {  	v54 =	vadd.s32 s29, v0;
	v13 =	vadd.f32 $1.000000000e+00, v52;
	(erf) = vpow2.f32 v49;
	v53 =	vpop (erf)  }
0x194: {  	v55 =	vmul.f32 v53, v8;
	v56 =	vpop (erf)  }
0x195: {  	s9 =	sadd.s32 $0x960, s19;
	(erf) = vrcp.f32 v13;
	v9 =	vadd.f32 $1.000000000e+00, v56;
	v57 =	vpop (erf)  }
0x196: {  	v59 =	vadd.s32 s9, v0;
	[tilespmem:v50+s12+$0x0] =	vst.idx.msk $0xffff, v55;
	v58 =	vmul.f32 v57, v6;
	v16 =	vpop (erf);
	v12 =	vsub.f32 $0.0e+00, v51  }
0x197: {  	v17 =	vld [tilespmem:s26+$0xFFFFFFE0];
	(erf) = vrcp.f32 v9;
	v60 =	vadd.f32 $1.000000000e+00, v16  }
0x198: {  	[tilespmem:v54+s12+$0x0] =	vst.idx.msk $0xffff, v58;
	v61 =	vpop (erf);
	v12 =	vmul.f32 $1.442695020e+00, v12  }
0x199: {  	v62 =	vld [tilespmem:s24+$0xFFFFFFF0];
	v14 =	vmul.f32 v61, v7;
	(erf) = vrcp.f32 v60  }
0x19a: {  	(erf) = vpow2.f32 v12  }
0x19b: {  	s10 =	sadd.s32 $0xC80, s18;
	[tilespmem:v59+s12+$0x0] =	vst.idx.msk $0xffff, v14  }
0x19c: {  	v63 =	vadd.s32 s10, v0;
	v20 =	vpop (erf);
	v21 =	vsub.f32 $0.0e+00, v17;
	v22 =	vld [tilespmem:s21+$0x0]  }
0x19d: {  	s29 =	sadd.s32 $0xFA0, s17;
	v12 =	vadd.f32 $1.000000000e+00, v20  }
0x19e: {  	v19 =	vadd.s32 s29, v0;
	v18 =	vpop (erf);
	v13 =	vmul.f32 $1.442695020e+00, v21;
	v16 =	vsub.f32 $0.0e+00, v62  }
0x19f: {  	s9 =	sadd.s32 $0x12C0, s16;
	v18 =	vmul.f32 v18, v10;
	(erf) = vrcp.f32 v12  }
0x1a0: {  	v24 =	vadd.s32 s9, v0;
	(erf) = vpow2.f32 v13;
	v23 =	vpop (erf);
	v16 =	vmul.f32 $1.442695020e+00, v16  }
0x1a1: {  	[tilespmem:v63+s12+$0x0] =	vst.idx.msk $0xffff, v18;
	v12 =	vmul.f32 v23, v4;
	v25 =	vsub.f32 $0.0e+00, v22  }
0x1a2: {  	v26 =	vld [tilespmem:s20+$0x10];
	(erf) = vpow2.f32 v16;
	v27 =	vpop (erf)  }
0x1a3: {  	[tilespmem:v19+s12+$0x0] =	vst.idx.msk $0xffff, v12;
	v9 =	vmul.f32 $1.442695020e+00, v25;
	v16 =	vmul.f32 v27, v5;
	v28 =	vpop (erf)  }
0x1a4: {  	v20 =	vld [tilespmem:s23+$0x20];
	v19 =	vadd.f32 $1.000000000e+00, v28  }
0x1a5: {  	(erf) = vpow2.f32 v9;
	[tilespmem:v24+s12+$0x0] =	vst.idx.msk $0xffff, v16  }
0x1a6: {  	v13 =	vld [tilespmem:s25+$0x30];
	(erf) = vrcp.f32 v19  }
0x1a7: {  	v17 =	vsub.f32 $0.0e+00, v26  }
0x1a8: {  	v9 =	vpop (erf)  }
0x1a9: {  	v17 =	vmul.f32 $1.442695020e+00, v17;
	v29 =	vpop (erf);
	v20 =	vsub.f32 $0.0e+00, v20  }
0x1aa: {  	v19 =	vadd.f32 $1.000000000e+00, v29  }
0x1ab: {  	(erf) = vpow2.f32 v17;
	v30 =	vmul.f32 $1.442695020e+00, v20;
	v31 =	vpop (erf);
	v13 =	vsub.f32 $0.0e+00, v13  }
0x1ac: {  	s10 =	sadd.s32 $0x320, s31;
	(erf) = vrcp.f32 v19;
	v32 =	vadd.f32 $1.000000000e+00, v31  }
0x1ad: {  	v33 =	vadd.s32 s10, v0;
	(erf) = vpow2.f32 v30;
	v13 =	vmul.f32 $1.442695020e+00, v13  }
0x1ae: {  	v8 =	vsub.f32 v8, v55;
	(erf) = vrcp.f32 v32;
	v34 =	vpop (erf)  }
0x1af: {  	v15 =	vadd.f32 $1.000000000e+00, v34;
	(erf) = vpow2.f32 v13;
	v35 =	vpop (erf)  }
0x1b0: {  	v8 =	vmul.f32 v35, v8  }
0x1b1: {  	(erf) = vrcp.f32 v15  }
0x1b2: {  	[tilespmem:v33+s12+$0x0] =	vst.idx.msk $0xffff, v8  }
0x1b3: {  	v8 =	vld [tilespmem:s30+$0xFFFFFFE0]  }
0x1b4: {  	s25 =	sadd.s32 $0x640, s28;
	v36 =	vpop (erf)  }
0x1b5: {  	s29 =	sadd.s32 $0x960, s22;
	v37 =	vadd.s32 s25, v0;
	v38 =	vpop (erf)  }
0x1b6: {  	s9 =	sadd.s32 $0xC80, s19;
	v40 =	vadd.s32 s29, v0;
	v6 =	vsub.f32 v6, v58;
	v7 =	vsub.f32 v7, v14;
	v39 =	vpop (erf)  }
0x1b7: {  	v42 =	vadd.s32 s9, v0;
	v10 =	vsub.f32 v10, v18;
	v13 =	vadd.f32 $1.000000000e+00, v36;
	v41 =	vpop (erf)  }
0x1b8: {  	v15 =	vmul.f32 v38, v6;
	v14 =	vadd.f32 $1.000000000e+00, v39;
	v43 =	vpop (erf);
	v8 =	vsub.f32 $0.0e+00, v8  }
0x1b9: {  	(erf) = vrcp.f32 v13;
	v44 =	vmul.f32 v41, v7;
	v45 =	vadd.f32 $1.000000000e+00, v43  }
0x1ba: {  	[tilespmem:v37+s12+$0x0] =	vst.idx.msk $0xffff, v15;
	(erf) = vrcp.f32 v14;
	v46 =	vpop (erf);
	v8 =	vmul.f32 $1.442695020e+00, v8  }
0x1bb: {  	v47 =	vld [tilespmem:s26+$0xFFFFFFF0];
	v11 =	vmul.f32 v46, v10;
	(erf) = vrcp.f32 v45  }
0x1bc: {  	[tilespmem:v40+s12+$0x0] =	vst.idx.msk $0xffff, v44;
	(erf) = vpow2.f32 v8  }
0x1bd: {  	v48 =	vld [tilespmem:s24+$0x0];
	[tilespmem:v42+s12+$0x0] =	vst.idx.msk $0xffff, v11  }
0x1be: {  	v49 =	vld [tilespmem:s21+$0x10]  }
0x1bf: {  	s10 =	sadd.s32 $0xFA0, s18  }
0x1c0: {  	v50 =	vadd.s32 s10, v0;
	v14 =	vsub.f32 $0.0e+00, v47  }
0x1c1: {  	v12 =	vsub.f32 v4, v12;
	s25 =	sadd.s32 $0x12C0, s17  }
0x1c2: {  	v52 =	vadd.s32 s25, v0;
	v51 =	vpop (erf);
	v14 =	vmul.f32 $1.442695020e+00, v14;
	v8 =	vsub.f32 $0.0e+00, v48  }
0x1c3: {  	v5 =	vsub.f32 v5, v16;
	v53 =	vmul.f32 v51, v12;
	v54 =	vpop (erf);
	v17 =	vsub.f32 $0.0e+00, v49  }
0x1c4: {  	(erf) = vpow2.f32 v14;
	v8 =	vmul.f32 $1.442695020e+00, v8;
	v4 =	vpop (erf)  }
0x1c5: {  	[tilespmem:v50+s12+$0x0] =	vst.idx.msk $0xffff, v53;
	v55 =	vmul.f32 v54, v5;
	v17 =	vmul.f32 $1.442695020e+00, v17;
	v56 =	vpop (erf)  }
0x1c6: {  	v57 =	vld [tilespmem:s20+$0x20];
	(erf) = vpow2.f32 v8;
	v18 =	vadd.f32 $1.000000000e+00, v56  }
0x1c7: {  	[tilespmem:v52+s12+$0x0] =	vst.idx.msk $0xffff, v55;
	(erf) = vpow2.f32 v17  }
0x1c8: {  	v58 =	vld [tilespmem:s23+$0x30];
	(erf) = vrcp.f32 v18;
	_ =	sdelay $0x2  }
0x1c9: {  	v8 =	vsub.f32 $0.0e+00, v57;
	_ =	sdelay $0x1  }
0x1ca: {  	v8 =	vmul.f32 $1.442695020e+00, v8;
	v59 =	vpop (erf);
	v17 =	vsub.f32 $0.0e+00, v58  }
0x1cb: {  	s29 =	sadd.s32 $0x640, s31;
	v18 =	vadd.f32 $1.000000000e+00, v59  }
0x1cc: {  	v62 =	vadd.s32 s29, v0;
	(erf) = vpow2.f32 v8;
	v60 =	vmul.f32 $1.442695020e+00, v17;
	v61 =	vpop (erf)  }
0x1cd: {  	v6 =	vsub.f32 v6, v15;
	(erf) = vrcp.f32 v18;
	v63 =	vadd.f32 $1.000000000e+00, v61;
	v20 =	vpop (erf)  }
0x1ce: {  	(erf) = vpow2.f32 v60;
	v21 =	vadd.f32 $1.000000000e+00, v20;
	v22 =	vpop (erf)  }
0x1cf: {  	(erf) = vrcp.f32 v63;
	v6 =	vmul.f32 v22, v6  }
0x1d0: {  	(erf) = vrcp.f32 v21  }
0x1d1: {  	[tilespmem:v62+s12+$0x0] =	vst.idx.msk $0xffff, v6  }
0x1d2: {  	v6 =	vld [tilespmem:s30+$0xFFFFFFF0];
	_ =	sdelay $0x1  }
0x1d3: {  	s9 =	sadd.s32 $0x960, s28  }
0x1d4: {  	s10 =	sadd.s32 $0xC80, s22;
	v23 =	vadd.s32 s9, v0;
	v7 =	vsub.f32 v7, v44;
	v24 =	vpop (erf)  }
0x1d5: {  	v27 =	vadd.s32 s10, v0;
	v10 =	vsub.f32 v10, v11;
	s23 =	sadd.s32 $0xFA0, s19;
	v25 =	vadd.f32 $1.000000000e+00, v24;
	v26 =	vpop (erf)  }
0x1d6: {  	v12 =	vsub.f32 v12, v53;
	v29 =	vadd.s32 s23, v0;
	v28 =	vpop (erf);
	v6 =	vsub.f32 $0.0e+00, v6  }
0x1d7: {  	v13 =	vmul.f32 v26, v7;
	(erf) = vrcp.f32 v25;
	v30 =	vadd.f32 $1.000000000e+00, v28;
	v31 =	vpop (erf)  }
0x1d8: {  	v16 =	vmul.f32 v31, v10;
	v32 =	vpop (erf);
	v6 =	vmul.f32 $1.442695020e+00, v6  }
0x1d9: {  	[tilespmem:v23+s12+$0x0] =	vst.idx.msk $0xffff, v13;
	(erf) = vrcp.f32 v30;
	v33 =	vmul.f32 v32, v12  }
0x1da: {  	v34 =	vld [tilespmem:s26+$0x0];
	[tilespmem:v27+s12+$0x0] =	vst.idx.msk $0xffff, v16;
	(erf) = vpow2.f32 v6  }
0x1db: {  	v35 =	vld [tilespmem:s24+$0x10];
	[tilespmem:v29+s12+$0x0] =	vst.idx.msk $0xffff, v33  }
0x1dc: {  	v36 =	vld [tilespmem:s21+$0x20];
	_ =	sdelay $0x1  }
0x1dd: {  	s25 =	sadd.s32 $0x12C0, s18  }
0x1de: {  	v37 =	vadd.s32 s25, v0;
	v11 =	vsub.f32 $0.0e+00, v34  }
0x1df: {  	v14 =	vsub.f32 v5, v55;
	v38 =	vsub.f32 $0.0e+00, v35  }
0x1e0: {  	v40 =	vpop (erf);
	v39 =	vmul.f32 $1.442695020e+00, v11;
	v15 =	vsub.f32 $0.0e+00, v36  }
0x1e1: {  	v11 =	vmul.f32 v40, v14;
	v5 =	vpop (erf);
	v41 =	vmul.f32 $1.442695020e+00, v38  }
0x1e2: {  	(erf) = vpow2.f32 v39;
	v42 =	vmul.f32 $1.442695020e+00, v15;
	v43 =	vpop (erf)  }
0x1e3: {  	[tilespmem:v37+s12+$0x0] =	vst.idx.msk $0xffff, v11;
	(erf) = vpow2.f32 v41;
	v15 =	vadd.f32 $1.000000000e+00, v43  }
0x1e4: {  	v17 =	vld [tilespmem:s20+$0x30];
	(erf) = vpow2.f32 v42  }
0x1e5: {  	(erf) = vrcp.f32 v15;
	_ =	sdelay $0x3  }
0x1e6: {  	v44 =	vsub.f32 $0.0e+00, v17;
	_ =	sdelay $0x1  }
0x1e7: {  	s29 =	sadd.s32 $0x960, s31;
	v6 =	vmul.f32 $1.442695020e+00, v44;
	v45 =	vpop (erf)  }
0x1e8: {  	v47 =	vadd.s32 s29, v0;
	v15 =	vadd.f32 $1.000000000e+00, v45;
	v46 =	vpop (erf)  }
0x1e9: {  	v7 =	vsub.f32 v7, v13;
	(erf) = vpow2.f32 v6;
	v48 =	vadd.f32 $1.000000000e+00, v46;
	v49 =	vpop (erf)  }
0x1ea: {  	(erf) = vrcp.f32 v15;
	v13 =	vadd.f32 $1.000000000e+00, v49;
	v50 =	vpop (erf)  }
0x1eb: {  	(erf) = vrcp.f32 v48;
	v51 =	vmul.f32 v50, v7  }
0x1ec: {  	(erf) = vrcp.f32 v13  }
0x1ed: {  	[tilespmem:v47+s12+$0x0] =	vst.idx.msk $0xffff, v51  }
0x1ee: {  	v6 =	vld [tilespmem:s30+$0x0];
	_ =	sdelay $0x1  }
0x1ef: {  	s9 =	sadd.s32 $0xC80, s28  }
0x1f0: {  	s10 =	sadd.s32 $0xFA0, s22;
	v52 =	vadd.s32 s9, v0  }
0x1f1: {  	v54 =	vadd.s32 s10, v0;
	v10 =	vsub.f32 v10, v16;
	s20 =	sadd.s32 $0x12C0, s19;
	v53 =	vpop (erf)  }
0x1f2: {  	v8 =	vsub.f32 v12, v33;
	v56 =	vadd.s32 s20, v0;
	v55 =	vpop (erf);
	v6 =	vsub.f32 $0.0e+00, v6  }
0x1f3: {  	v11 =	vsub.f32 v14, v11;
	v13 =	vadd.f32 $1.000000000e+00, v53;
	v12 =	vmul.f32 v55, v10;
	v57 =	vpop (erf)  }
0x1f4: {  	v14 =	vmul.f32 v57, v8;
	v58 =	vpop (erf);
	v6 =	vmul.f32 $1.442695020e+00, v6  }
0x1f5: {  	(erf) = vrcp.f32 v13;
	[tilespmem:v52+s12+$0x0] =	vst.idx.msk $0xffff, v12;
	v59 =	vmul.f32 v58, v11  }
0x1f6: {  	v60 =	vld [tilespmem:s26+$0x10];
	[tilespmem:v54+s12+$0x0] =	vst.idx.msk $0xffff, v14;
	(erf) = vpow2.f32 v6  }
0x1f7: {  	v61 =	vld [tilespmem:s24+$0x20];
	[tilespmem:v56+s12+$0x0] =	vst.idx.msk $0xffff, v59  }
0x1f8: {  	v62 =	vld [tilespmem:s21+$0x30];
	_ =	sdelay $0x2  }
0x1f9: {  	v13 =	vsub.f32 $0.0e+00, v60  }
0x1fa: {  	v6 =	vsub.f32 $0.0e+00, v61  }
0x1fb: {  	v13 =	vmul.f32 $1.442695020e+00, v13;
	v15 =	vsub.f32 $0.0e+00, v62  }
0x1fc: {  	v63 =	vpop (erf);
	v6 =	vmul.f32 $1.442695020e+00, v6  }
0x1fd: {  	(erf) = vpow2.f32 v13;
	v18 =	vmul.f32 $1.442695020e+00, v15;
	v19 =	vpop (erf)  }
0x1fe: {  	(erf) = vpow2.f32 v6;
	v20 =	vadd.f32 $1.000000000e+00, v19  }
0x1ff: {  	(erf) = vpow2.f32 v18  }
0x200: {  	(erf) = vrcp.f32 v20;
	_ =	sdelay $0x5  }
0x201: {  	s23 =	sadd.s32 $0xC80, s31;
	v21 =	vpop (erf)  }
0x202: {  	v23 =	vadd.s32 s23, v0;
	v22 =	vpop (erf)  }
0x203: {  	v10 =	vsub.f32 v10, v12;
	v6 =	vadd.f32 $1.000000000e+00, v21;
	v24 =	vpop (erf)  }
0x204: {  	v13 =	vadd.f32 $1.000000000e+00, v22;
	v25 =	vpop (erf)  }
0x205: {  	(erf) = vrcp.f32 v6;
	v26 =	vmul.f32 v25, v10  }
0x206: {  	(erf) = vrcp.f32 v13  }
0x207: {  	[tilespmem:v23+s12+$0x0] =	vst.idx.msk $0xffff, v26  }
0x208: {  	v6 =	vld [tilespmem:s30+$0x10];
	_ =	sdelay $0x2  }
0x209: {  	s25 =	sadd.s32 $0xFA0, s28  }
0x20a: {  	s29 =	sadd.s32 $0x12C0, s22;
	v27 =	vadd.s32 s25, v0  }
0x20b: {  	v28 =	vadd.s32 s29, v0;
	v8 =	vsub.f32 v8, v14;
	v6 =	vsub.f32 $0.0e+00, v6  }
0x20c: {  	v7 =	vsub.f32 v11, v59;
	v29 =	vadd.f32 $1.000000000e+00, v24;
	v30 =	vpop (erf)  }
0x20d: {  	v12 =	vmul.f32 v30, v8;
	v31 =	vpop (erf);
	v6 =	vmul.f32 $1.442695020e+00, v6  }
0x20e: {  	(erf) = vrcp.f32 v29;
	v32 =	vmul.f32 v31, v7  }
0x20f: {  	[tilespmem:v27+s12+$0x0] =	vst.idx.msk $0xffff, v12;
	(erf) = vpow2.f32 v6  }
0x210: {  	v33 =	vld [tilespmem:s26+$0x20];
	[tilespmem:v28+s12+$0x0] =	vst.idx.msk $0xffff, v32  }
0x211: {  	v34 =	vld [tilespmem:s24+$0x30];
	_ =	sdelay $0x3  }
0x212: {  	v6 =	vsub.f32 $0.0e+00, v33  }
0x213: {  	v10 =	vsub.f32 $0.0e+00, v34  }
0x214: {  	v35 =	vpop (erf);
	v6 =	vmul.f32 $1.442695020e+00, v6  }
0x215: {  	v10 =	vmul.f32 $1.442695020e+00, v10;
	v36 =	vpop (erf)  }
0x216: {  	(erf) = vpow2.f32 v6;
	v37 =	vadd.f32 $1.000000000e+00, v36  }
0x217: {  	(erf) = vpow2.f32 v10  }
0x218: {  	(erf) = vrcp.f32 v37;
	_ =	sdelay $0x5  }
0x219: {  	s9 =	sadd.s32 $0xFA0, s31  }
0x21a: {  	v39 =	vadd.s32 s9, v0;
	v38 =	vpop (erf)  }
0x21b: {  	v8 =	vsub.f32 v8, v12;
	v40 =	vpop (erf)  }
0x21c: {  	v6 =	vadd.f32 $1.000000000e+00, v38;
	v41 =	vpop (erf)  }
0x21d: {  	v8 =	vmul.f32 v41, v8  }
0x21e: {  	(erf) = vrcp.f32 v6  }
0x21f: {  	[tilespmem:v39+s12+$0x0] =	vst.idx.msk $0xffff, v8  }
0x220: {  	v42 =	vld [tilespmem:s30+$0x20];
	_ =	sdelay $0x3  }
0x221: {  	s10 =	sadd.s32 $0x12C0, s28  }
0x222: {  	v43 =	vadd.s32 s10, v0;
	v6 =	vsub.f32 $0.0e+00, v42  }
0x223: {  	v7 =	vsub.f32 v7, v32;
	v44 =	vadd.f32 $1.000000000e+00, v40  }
0x224: {  	v45 =	vpop (erf);
	v6 =	vmul.f32 $1.442695020e+00, v6  }
0x225: {  	(erf) = vrcp.f32 v44;
	v46 =	vmul.f32 v45, v7  }
0x226: {  	(erf) = vpow2.f32 v6  }
0x227: {  	[tilespmem:v43+s12+$0x0] =	vst.idx.msk $0xffff, v46  }
0x228: {  	v47 =	vld [tilespmem:s26+$0x30];
	_ =	sdelay $0x4  }
0x229: {  	v6 =	vsub.f32 $0.0e+00, v47  }
0x22a: {  	v48 =	vpop (erf)  }
0x22b: {  	v6 =	vmul.f32 $1.442695020e+00, v6;
	v49 =	vpop (erf)  }
0x22c: {  	v11 =	vadd.f32 $1.000000000e+00, v49  }
0x22d: {  	(erf) = vpow2.f32 v6  }
0x22e: {  	(erf) = vrcp.f32 v11;
	_ =	sdelay $0x5  }
0x22f: {  	s20 =	sadd.s32 $0x12C0, s31  }
0x230: {  	v50 =	vadd.s32 s20, v0  }
0x231: {  	v7 =	vsub.f32 v7, v46;
	v51 =	vpop (erf)  }
0x232: {  	v11 =	vpop (erf)  }
0x233: {  	v7 =	vmul.f32 v11, v7;
	_ =	sdelay $0x1  }
0x234: {  	v3 =	vmul.f32 v3, v1;
	[tilespmem:v50+s12+$0x0] =	vst.idx.msk $0xffff, v7  }
0x235: {  	v6 =	vld [tilespmem:s30+$0x30]  }
0x236: {  	v1 =	vsub.f32 v1, v3;
	_ =	sdelay $0x1  }
0x237: {  	v52 =	vmul.f32 v9, v1;
	_ =	sdelay $0x1  }
0x238: {  	v1 =	vsub.f32 v1, v52;
	v6 =	vsub.f32 $0.0e+00, v6  }
0x239: {  	v53 =	vadd.f32 $1.000000000e+00, v51  }
0x23a: {  	v4 =	vmul.f32 v4, v1;
	v6 =	vmul.f32 $1.442695020e+00, v6  }
0x23b: {  	(erf) = vrcp.f32 v53  }
0x23c: {  	v1 =	vsub.f32 v1, v4;
	(erf) = vpow2.f32 v6;
	_ =	sdelay $0x1  }
0x23d: {  	v5 =	vmul.f32 v5, v1;
	_ =	sdelay $0x1  }
0x23e: {  	v1 =	vsub.f32 v1, v5;
	_ =	sdelay $0x1  }
0x23f: {  	v54 =	vmul.f32 v63, v1;
	_ =	sdelay $0x1  }
0x240: {  	v1 =	vsub.f32 v1, v54;
	v9 =	vpop (erf)  }
0x241: {  	v55 =	vpop (erf)  }
0x242: {  	v56 =	vmul.f32 v35, v1;
	v10 =	vadd.f32 $1.000000000e+00, v55  }
0x243: {  	s23 =	sadd.s32 $0x15E0, s16  }
0x244: {  	v58 =	vadd.s32 s23, v0;
	s21 =	sadd.s32 $0x15E0, s15;
	v1 =	vsub.f32 v1, v56;
	(erf) = vrcp.f32 v10  }
0x245: {  	s25 =	sadd.s32 $0x15E0, s18;
	v57 =	vadd.s32 s21, v0  }
0x246: {  	v60 =	vadd.s32 s25, v0;
	s24 =	sadd.s32 $0x15E0, s17;
	v8 =	vmul.f32 v48, v1  }
0x247: {  	v59 =	vadd.s32 s24, v0;
	s26 =	sadd.s32 $0x15E0, s19  }
0x248: {  	[tilespmem:v2+s12+$0x0] =	vst.idx.msk $0xffff, v3;
	s29 =	sadd.s32 $0x15E0, s22;
	v2 =	vadd.s32 s26, v0;
	v1 =	vsub.f32 v1, v8  }
0x249: {  	v3 =	vadd.s32 s29, v0;
	[tilespmem:v58+s12+$0x0] =	vst.idx.msk $0xffff, v4;
	s30 =	sadd.s32 $0x15E0, s28  }
0x24a: {  	s31 =	sadd.s32 $0x15E0, s31;
	[tilespmem:v57+s12+$0x0] =	vst.idx.msk $0xffff, v52;
	v61 =	vadd.s32 s30, v0;
	v62 =	vmul.f32 v9, v1  }
0x24b: {  	v63 =	vadd.s32 s31, v0;
	[tilespmem:v60+s12+$0x0] =	vst.idx.msk $0xffff, v54  }
0x24c: {  	[tilespmem:v59+s12+$0x0] =	vst.idx.msk $0xffff, v5;
	v1 =	vsub.f32 v1, v62  }
0x24d: {  	[tilespmem:v2+s12+$0x0] =	vst.idx.msk $0xffff, v56;
	v2 =	vpop (erf)  }
0x24e: {  	[tilespmem:v3+s12+$0x0] =	vst.idx.msk $0xffff, v8;
	v1 =	vmul.f32 v2, v1  }
0x24f: {  	[tilespmem:v61+s12+$0x0] =	vst.idx.msk $0xffff, v62  }
0x250: {  	[tilespmem:v63+s12+$0x0] =	vst.idx.msk $0xffff, v1  }
0x251: {  	s14 =	sadd.s32 $0x1, s14;
	_ =	strace $0x9000004C  }
0x252: {  	p1 =	sne.s32 s14, s6;
	_ =	strace $0x8000004D  }
0x253: {  	[hbm4b:s5+s2] =	stream.linear.scatter [tilespmem:s12], [sflag:$0x4], $0x1900, $0x200038;
	[tilespmem:$0x7C70] =	vst v63  }
.Ltmp2:
0x254: {  	_ = 	snop;
	(pc) =	sbr.rel @p1 .LBB2_1-.Ltmp2, $4  }
0x255: {  	_ =	swait.ge [sflag:s13], $0x1900  }
0x256: {  	[sflag:s13] =	ssyncset.done $0x0  }
0x257: {  	[sflag:s13] =	ssyncadd.s32 $0xFFFFE700  }
0x258: {  	_ =	strace $0x9000004D  }
0x259: {  	_ =	sfence.sel $0x180000  }
0x25a: {  	[bflag:$0x0] =	sbarrier.arrive $0xFFFF  }
0x25b: {  	_ =	strace $0x90000047  }
0x25c: {  	[bflag:$0x2] =	sbarrier.arrive $0xFFFF  }
0x25d: {  	s0 =	rddreg [dreg:$0x3]  }
0x25e: {  	s0 =	sadd.s32 @!p0 $0x100000, s0  }
0x25f: {  	[sflag:s0] =	ssyncadd.tile.s32 @!p0 $0x1;
	_ =	shalt  }
.Lfunc_end2:
_tile_overlayer_lowered:
.L_overlay_start_2:
0x260: {  	(tag) =	ssettag $0x2  }
0x261: {  	s0 =	rddreg [dreg:$0x0];
	s2 =	stileid.u32  }
0x262: {  	s1 =	rddreg [dreg:$0x1];
	p0 =	sne.s32 s2, $0x0  }
0x263: {  	s3 =	rddreg [dreg:$0x2];
	[bflag:$0x3] =	sbarrier.arrive $0xFFFF;
	s2 =	simm.s32 @!p0 $0x1C04  }
0x264: {  	[timem:s3], [sflag:s2] =	dma.local @!p0 [hbm:s0], s1  }
0x265: {  	s0 =	simm.s32 @!p0 $0x4  }
0x266: {  	_ =	swait.ge @!p0 [sflag:s0], s1  }
0x267: {  	s1 =	ssub.s32 @!p0 $0x0, s1;
	[sflag:s0] =	ssyncset.done @!p0 $0x0  }
0x268: {  	[sflag:s0] =	ssyncadd.s32 @!p0 s1  }
0x269: {  	[bflag:$0x3] =	sbarrier.arrive $0xFFFF  }
0x26a: {  	_ =	shalt  }

</sc_bundles>
